<compile_context>
chip_gen: v7x
topology: tpu7x:2x2x1
jax: 0.10.2.dev20260603
libtpu: 0.0.44.dev20260713+nightly
codegen_flags: <defaults>
</compile_context>

<pallas_src>
import functools

import jax
import jax.numpy as jnp
from jax import lax
from jax.experimental import pallas as pl
from jax.experimental.pallas import tpu as pltpu
from jax.experimental.pallas import tpu_sc as plsc

N_NODE = 10000
D = 128
OUT = 64
D_AUG = 144
SPLIT = 72
W_HALF = 80
CNT = D - SPLIT
N_ACC = 10240
NC = 2
NS = 16
CHUNK = 128
NCH = 158
E_PAD = NS * NCH * CHUNK
ROWS_PER_TILE = N_ACC // NS


def _make_spmm():
    mesh = plsc.VectorSubcoreMesh(core_axis_name="c", subcore_axis_name="s",
                                  num_cores=NC, num_subcores=NS)

    @functools.partial(
        pl.kernel,
        out_type=jax.ShapeDtypeStruct((NC, N_ACC, W_HALF), jnp.float32),
        mesh=mesh,
        scratch_types=[
            pltpu.VMEM((NCH, CHUNK), jnp.int32),
            pltpu.VMEM((NCH, CHUNK), jnp.int32),
            pltpu.VMEM((CHUNK, W_HALF), jnp.float32),
            pltpu.VMEM((CHUNK, W_HALF), jnp.float32),
            pltpu.VMEM_SHARED((N_ACC, W_HALF), jnp.float32),
            pltpu.SemaphoreType.DMA,
            pltpu.SemaphoreType.DMA,
        ],
        compiler_params=pltpu.CompilerParams(use_tc_tiling_on_sc=False),
    )
    def spmm(table, src_i, dst_i, zeros_h, out,
             idx_s, idx_d, rows0, rows1, acc, sem0, sem1):
        c = lax.axis_index("c")
        s = lax.axis_index("s")
        base = s * ROWS_PER_TILE
        pltpu.sync_copy(zeros_h.at[pl.ds(base, ROWS_PER_TILE)],
                        acc.at[pl.ds(base, ROWS_PER_TILE)])
        pltpu.sync_copy(src_i.at[s], idx_s)
        pltpu.sync_copy(dst_i.at[s], idx_d)
        plsc.subcore_barrier()

        bufs = (rows0, rows1)
        sems = (sem0, sem1)

        def gather(j, b):
            return pltpu.async_copy(table.at[c].at[idx_s.at[j]],
                                    bufs[b], sems[b])

        gather(0, 0)

        @pl.loop(0, NCH, step=2)
        def _(j0):
            for b in range(2):
                j = j0 + b
                pltpu.make_async_copy(table.at[c].at[idx_s.at[j]],
                                      bufs[b], sems[b]).wait()

                @pl.when(j + 1 < NCH)
                def _():
                    gather(j + 1, 1 - b)

                pltpu.sync_copy(bufs[b], acc.at[idx_d.at[j]], add=True)

        plsc.subcore_barrier()
        pltpu.sync_copy(acc.at[pl.ds(base, ROWS_PER_TILE)],
                        out.at[c, pl.ds(base, ROWS_PER_TILE)])

    return spmm


_SPMM_CACHE = []


def _sc_aggregate(table2, src3, dst3, zeros_acc):
    if not _SPMM_CACHE:
        _SPMM_CACHE.append(_make_spmm())
    return _SPMM_CACHE[0](table2, src3, dst3, zeros_acc)


def _split_table(x_aug_cols):
    n = x_aug_cols.shape[0]
    zpad = jnp.zeros((n, W_HALF - SPLIT), jnp.float32)
    ones = jnp.ones((n, D_AUG - D), jnp.float32)
    h0 = jnp.concatenate([x_aug_cols[:, :SPLIT], zpad], axis=1)
    h1 = jnp.concatenate(
        [x_aug_cols[:, SPLIT:], ones,
         jnp.zeros((n, W_HALF - CNT - (D_AUG - D)), jnp.float32)], axis=1)
    return jnp.stack([h0, h1])


def _pad_edges(src, dst):
    pad = E_PAD - src.shape[0]
    src = jnp.concatenate([src, jnp.zeros((pad,), jnp.int32)])
    dst = jnp.concatenate([dst, jnp.full((pad,), N_NODE, jnp.int32)])
    return src.reshape(NS, NCH, CHUNK), dst.reshape(NS, NCH, CHUNK)


def _mm(a, b):
    return jnp.dot(a, b, preferred_element_type=jnp.float32,
                   precision=lax.Precision.HIGHEST)


def _mean_from_halves(h0, h1):
    feat = jnp.concatenate([h0[:, :SPLIT], h1[:, :CNT]], axis=1)
    cnt = h1[:, CNT:CNT + 1]
    return feat / jnp.maximum(cnt, 1.0)


def _dense1_body(a1h0_ref, a1h1_ref, a2h0_ref, a2h1_ref, xm_ref, xu_ref,
                 w1l_ref, w1r_ref, b1_ref, wl1_ref, bl1_ref,
                 w2l_ref, w2r_ref, b2_ref, wl2_ref, bl2_ref,
                 tb_ref, u2_ref):
    mean1 = _mean_from_halves(a1h0_ref[...], a1h1_ref[...])
    h0 = jax.nn.relu(_mm(mean1, w1l_ref[...]) + b1_ref[...]
                     + _mm(xm_ref[...], w1r_ref[...]))
    h = jax.nn.relu(_mm(h0, wl1_ref[...]) + bl1_ref[...])
    nrow = h.shape[0]
    zpad = jnp.zeros((nrow, W_HALF - SPLIT), jnp.float32)
    tb_ref[0] = jnp.concatenate([h[:, :SPLIT], zpad], axis=1)
    tb_ref[1] = jnp.concatenate(
        [h[:, SPLIT:], jnp.ones((nrow, D_AUG - D), jnp.float32),
         jnp.zeros((nrow, W_HALF - CNT - (D_AUG - D)), jnp.float32)], axis=1)
    mean2 = _mean_from_halves(a2h0_ref[...], a2h1_ref[...])
    u0 = jax.nn.relu(_mm(mean2, w2l_ref[...]) + b2_ref[...]
                     + _mm(xu_ref[...], w2r_ref[...]))
    u2_ref[...] = jax.nn.relu(_mm(u0, wl2_ref[...]) + bl2_ref[...])


def _dense2_body(a3h0_ref, a3h1_ref, u2_ref,
                 w3l_ref, w3r_ref, b3_ref, wl3_ref, bl3_ref, out_ref):
    mean3 = _mean_from_halves(a3h0_ref[...], a3h1_ref[...])
    u3 = jax.nn.relu(_mm(mean3, w3l_ref[...]) + b3_ref[...]
                     + _mm(u2_ref[...], w3r_ref[...]))
    out_ref[...] = _mm(u3, wl3_ref[...]) + bl3_ref[...]


_BLK = 400
_GRID = N_NODE // _BLK


def _row_spec(w):
    return pl.BlockSpec((_BLK, w), lambda i: (i, 0))


def _full_spec(h, w):
    return pl.BlockSpec((h, w), lambda i: (0, 0))


def kernel(x_movie, x_user, edge_index_sims, edge_index_rev_rates,
           W1l, W1r, b1, W2l, W2r, b2, W3l, W3r, b3,
           Wlin1, blin1, Wlin2, blin2, Wlin3, blin3):
    zeros_acc = jnp.zeros((N_ACC, W_HALF), jnp.float32)
    tA = _split_table(x_movie)

    srcS, dstS = _pad_edges(edge_index_sims[0], edge_index_sims[1])
    srcR, dstR = _pad_edges(edge_index_rev_rates[0], edge_index_rev_rates[1])

    agg1 = _sc_aggregate(tA, srcS, dstS, zeros_acc)
    agg2 = _sc_aggregate(tA, srcR, dstR, zeros_acc)

    b1r, b2r = b1.reshape(1, -1), b2.reshape(1, -1)
    bl1r, bl2r = blin1.reshape(1, -1), blin2.reshape(1, -1)
    tB, u2 = pl.pallas_call(
        _dense1_body,
        grid=(_GRID,),
        in_specs=[
            _row_spec(W_HALF), _row_spec(W_HALF),
            _row_spec(W_HALF), _row_spec(W_HALF),
            _row_spec(D), _row_spec(D),
            _full_spec(D, D), _full_spec(D, D), _full_spec(1, D),
            _full_spec(D, D), _full_spec(1, D),
            _full_spec(D, D), _full_spec(D, D), _full_spec(1, D),
            _full_spec(D, D), _full_spec(1, D),
        ],
        out_specs=[pl.BlockSpec((NC, _BLK, W_HALF), lambda i: (0, i, 0)),
                   _row_spec(D)],
        out_shape=[jax.ShapeDtypeStruct((NC, N_NODE, W_HALF), jnp.float32),
                   jax.ShapeDtypeStruct((N_NODE, D), jnp.float32)],
    )(agg1[0, :N_NODE], agg1[1, :N_NODE], agg2[0, :N_NODE], agg2[1, :N_NODE],
      x_movie, x_user,
      W1l, W1r, b1r, Wlin1, bl1r, W2l, W2r, b2r, Wlin2, bl2r)

    agg3 = _sc_aggregate(tB, srcR, dstR, zeros_acc)

    out = pl.pallas_call(
        _dense2_body,
        grid=(_GRID,),
        in_specs=[
            _row_spec(W_HALF), _row_spec(W_HALF), _row_spec(D),
            _full_spec(D, D), _full_spec(D, D), _full_spec(1, D),
            _full_spec(D, OUT), _full_spec(1, OUT),
        ],
        out_specs=_row_spec(OUT),
        out_shape=jax.ShapeDtypeStruct((N_NODE, OUT), jnp.float32),
    )(agg3[0, :N_NODE], agg3[1, :N_NODE], u2,
      W3l, W3r, b3.reshape(1, -1), Wlin3, blin3.reshape(1, -1))
    return out

# --- scband reference (transcript-rebuilt; emitter-appended) ---
"""Pipeline reference for scband-hetero-gnn2-76802605187593 (READ-ONLY COPY).

The authoritative reference and input builder live on the scoring server;
editing this copy changes nothing except your own understanding.
"""

import jax, jax.numpy as jnp
import numpy as np

N_MOVIE = 10000
N_USER = 10000
D = 128
H = 128
OUT = 64
E1 = 320000
E2 = 320000


def setup_inputs(seed: int = 0) -> dict:
    key = jax.random.key(seed)
    ks = [jax.random.fold_in(key, i) for i in range(24)]
    inp = {}
    inp['x_movie'] = jax.random.normal(ks[0], (N_MOVIE, D), dtype=jnp.float32)
    inp['x_user'] = jax.random.normal(ks[1], (N_USER, D), dtype=jnp.float32)
    inp['edge_index_sims'] = jax.random.randint(ks[2], (2, E1), 0, N_MOVIE, dtype=jnp.int32)
    inp['edge_index_rev_rates'] = jax.random.randint(ks[3], (2, E2), 0, N_USER, dtype=jnp.int32)
    # SAGEConv params: lin_l (aggregated neighbors, with bias) and lin_r (root, no bias)
    inp['W1l'] = jax.random.normal(ks[4], (D, H), dtype=jnp.float32) * 0.05
    inp['W1r'] = jax.random.normal(ks[5], (D, H), dtype=jnp.float32) * 0.05
    inp['b1'] = jnp.zeros((H,), dtype=jnp.float32)
    inp['W2l'] = jax.random.normal(ks[6], (D, H), dtype=jnp.float32) * 0.05
    inp['W2r'] = jax.random.normal(ks[7], (D, H), dtype=jnp.float32) * 0.05
    inp['b2'] = jnp.zeros((H,), dtype=jnp.float32)
    inp['W3l'] = jax.random.normal(ks[8], (H, H), dtype=jnp.float32) * 0.05
    inp['W3r'] = jax.random.normal(ks[9], (H, H), dtype=jnp.float32) * 0.05
    inp['b3'] = jnp.zeros((H,), dtype=jnp.float32)
    inp['Wlin1'] = jax.random.normal(ks[10], (H, H), dtype=jnp.float32) * 0.05
    inp['blin1'] = jnp.zeros((H,), dtype=jnp.float32)
    inp['Wlin2'] = jax.random.normal(ks[11], (H, H), dtype=jnp.float32) * 0.05
    inp['blin2'] = jnp.zeros((H,), dtype=jnp.float32)
    inp['Wlin3'] = jax.random.normal(ks[12], (H, OUT), dtype=jnp.float32) * 0.05
    inp['blin3'] = jnp.zeros((OUT,), dtype=jnp.float32)
    return inp


def _sage(x_src, x_dst, edge_index, Wl, bl, Wr, n_dst):
    # PyG SAGEConv with mean aggregation:
    # out = lin_l(mean_{j in N(i)} x_j) + lin_r(x_i)
    src, dst = edge_index[0], edge_index[1]
    msg = jnp.take(x_src, src, axis=0)                       # gather  [E, d]
    agg = jax.ops.segment_sum(msg, dst, num_segments=n_dst)  # scatter-add [n_dst, d]
    cnt = jax.ops.segment_sum(jnp.ones((edge_index.shape[1],), dtype=x_src.dtype), dst, num_segments=n_dst)
    mean = agg / jnp.maximum(cnt, 1.0)[:, None]
    return mean @ Wl + bl + x_dst @ Wr


def reference(x_movie, x_user, edge_index_sims, edge_index_rev_rates,
              W1l, W1r, b1, W2l, W2r, b2, W3l, W3r, b3,
              Wlin1, blin1, Wlin2, blin2, Wlin3, blin3):
    h = jax.nn.relu(_sage(x_movie, x_movie, edge_index_sims, W1l, b1, W1r, N_MOVIE))
    h = jax.nn.relu(h @ Wlin1 + blin1)
    u = jax.nn.relu(_sage(x_movie, x_user, edge_index_rev_rates, W2l, b2, W2r, N_USER))
    u = jax.nn.relu(u @ Wlin2 + blin2)
    u = jax.nn.relu(_sage(h, u, edge_index_rev_rates, W3l, b3, W3r, N_USER))
    u = u @ Wlin3 + blin3
    return u

if __name__ == "__main__":
    import jax
    _d = setup_inputs()
    print(jax.jit(kernel)(*tuple(_d.values())))

</pallas_src>

<mosaic_0001>
#map = affine_map<(d0, d1) -> (0, 0, 0)>
#map1 = affine_map<(d0, d1) -> (0, 0)>
module attributes {stable_mosaic.version = 14 : i64} {
  func.func @spmm(%arg0: i32, %arg1: i32, %arg2: memref<2x10000x80xf32, #tpu.memory_space<hbm>>, %arg3: memref<16x158x128xi32, #tpu.memory_space<hbm>>, %arg4: memref<16x158x128xi32, #tpu.memory_space<hbm>>, %arg5: memref<10240x80xf32, #tpu.memory_space<hbm>>, %arg6: memref<2x10240x80xf32, #tpu.memory_space<hbm>>, %arg7: memref<158x128xi32, #tpu.memory_space<vmem>>, %arg8: memref<158x128xi32, #tpu.memory_space<vmem>>, %arg9: memref<128x80xf32, #tpu.memory_space<vmem>>, %arg10: memref<128x80xf32, #tpu.memory_space<vmem>>, %arg11: memref<10240x80xf32, #tpu.memory_space<vmem_shared>>, %arg12: memref<!tpu.dma_semaphore, #tpu.memory_space<semaphore_mem>>, %arg13: memref<!tpu.dma_semaphore, #tpu.memory_space<semaphore_mem>>) attributes {dimension_semantics = [#tpu.dimension_semantics<core_parallel>, #tpu.dimension_semantics<subcore_parallel>], iteration_bounds = array<i64: 2, 16>, scalar_prefetch = 0 : i64, scratch_operands = 7 : i64, tpu.core_type = #tpu.core_type<sc_vector_subcore>, window_params = [{transform_indices = #map}, {transform_indices = #map}, {transform_indices = #map}, {transform_indices = #map1}, {transform_indices = #map}]} {
    %mul3A = arith.constant 640 : i32
    %mul3A_0 = arith.muli %arg1, %mul3A : i32
    "tpu.region"() ({
      %run_scoped3A = tpu.sem_alloc : memref<!tpu.dma_semaphore, #tpu.memory_space<semaphore_mem>>
      %dma_start3A_16 = arith.constant 0 : i32
      %dma_start3A_17 = tpu.memref_slice %arg11[%mul3A_0, %dma_start3A_16] : memref<10240x80xf32, #tpu.memory_space<vmem_shared>> -> memref<640x80xf32, #tpu.memory_space<vmem_shared>>
      %dma_start3A_18 = arith.constant 0 : i32
      %dma_start3A_19 = tpu.memref_slice %arg5[%mul3A_0, %dma_start3A_18] : memref<10240x80xf32, #tpu.memory_space<hbm>> -> memref<640x80xf32, #tpu.memory_space<hbm>>
      tpu.enqueue_dma source(%dma_start3A_19 : memref<640x80xf32, #tpu.memory_space<hbm>>) target(%dma_start3A_17 : memref<640x80xf32, #tpu.memory_space<vmem_shared>>) target_semaphore(%run_scoped3A : memref<!tpu.dma_semaphore, #tpu.memory_space<semaphore_mem>>)
      %dma_wait3A = arith.constant 0 : i32
      %dma_wait3A_20 = tpu.memref_slice %arg11[%mul3A_0, %dma_wait3A] : memref<10240x80xf32, #tpu.memory_space<vmem_shared>> -> memref<640x80xf32, #tpu.memory_space<vmem_shared>>
      %dma_wait3A_21 = arith.constant 0 : i32
      %dma_wait3A_22 = tpu.memref_slice %arg5[%mul3A_0, %dma_wait3A_21] : memref<10240x80xf32, #tpu.memory_space<hbm>> -> memref<640x80xf32, #tpu.memory_space<hbm>>
      tpu.wait_dma2 semaphore(%run_scoped3A : memref<!tpu.dma_semaphore, #tpu.memory_space<semaphore_mem>>) src(%dma_wait3A_22 : memref<640x80xf32, #tpu.memory_space<hbm>>) dst(%dma_wait3A_20 : memref<640x80xf32, #tpu.memory_space<vmem_shared>>)
      tpu.yield
    }) : () -> ()
    "tpu.region"() ({
      %run_scoped3A = tpu.sem_alloc : memref<!tpu.dma_semaphore, #tpu.memory_space<semaphore_mem>>
      %dma_start3A_16 = arith.constant 0 : i32
      %dma_start3A_17 = arith.constant 0 : i32
      %dma_start3A_18 = tpu.memref_slice %arg3[%arg1, %dma_start3A_16, %dma_start3A_17] : memref<16x158x128xi32, #tpu.memory_space<hbm>> -> memref<1x158x128xi32, #tpu.memory_space<hbm>>
      %dma_start3A_19 = tpu.memref_squeeze %dma_start3A_18 : memref<1x158x128xi32, #tpu.memory_space<hbm>> -> memref<158x128xi32, #tpu.memory_space<hbm>>
      %dma_start3A_20 = arith.constant 0 : i32
      %dma_start3A_21 = arith.constant 0 : i32
      %dma_start3A_22 = tpu.memref_slice %arg3[%arg1, %dma_start3A_20, %dma_start3A_21] : memref<16x158x128xi32, #tpu.memory_space<hbm>> -> memref<1x158x128xi32, #tpu.memory_space<hbm>>
      %dma_start3A_23 = tpu.memref_squeeze %dma_start3A_22 : memref<1x158x128xi32, #tpu.memory_space<hbm>> -> memref<158x128xi32, #tpu.memory_space<hbm>>
      tpu.enqueue_dma source(%dma_start3A_23 : memref<158x128xi32, #tpu.memory_space<hbm>>) target(%arg7 : memref<158x128xi32, #tpu.memory_space<vmem>>) target_semaphore(%run_scoped3A : memref<!tpu.dma_semaphore, #tpu.memory_space<semaphore_mem>>)
      %dma_wait3A = arith.constant 0 : i32
      %dma_wait3A_24 = arith.constant 0 : i32
      %dma_wait3A_25 = tpu.memref_slice %arg3[%arg1, %dma_wait3A, %dma_wait3A_24] : memref<16x158x128xi32, #tpu.memory_space<hbm>> -> memref<1x158x128xi32, #tpu.memory_space<hbm>>
      %dma_wait3A_26 = tpu.memref_squeeze %dma_wait3A_25 : memref<1x158x128xi32, #tpu.memory_space<hbm>> -> memref<158x128xi32, #tpu.memory_space<hbm>>
      %dma_wait3A_27 = arith.constant 0 : i32
      %dma_wait3A_28 = arith.constant 0 : i32
      %dma_wait3A_29 = tpu.memref_slice %arg3[%arg1, %dma_wait3A_27, %dma_wait3A_28] : memref<16x158x128xi32, #tpu.memory_space<hbm>> -> memref<1x158x128xi32, #tpu.memory_space<hbm>>
      %dma_wait3A_30 = tpu.memref_squeeze %dma_wait3A_29 : memref<1x158x128xi32, #tpu.memory_space<hbm>> -> memref<158x128xi32, #tpu.memory_space<hbm>>
      tpu.wait_dma2 semaphore(%run_scoped3A : memref<!tpu.dma_semaphore, #tpu.memory_space<semaphore_mem>>) src(%dma_wait3A_30 : memref<158x128xi32, #tpu.memory_space<hbm>>) dst(%arg7 : memref<158x128xi32, #tpu.memory_space<vmem>>)
      tpu.yield
    }) : () -> ()
    "tpu.region"() ({
      %run_scoped3A = tpu.sem_alloc : memref<!tpu.dma_semaphore, #tpu.memory_space<semaphore_mem>>
      %dma_start3A_16 = arith.constant 0 : i32
      %dma_start3A_17 = arith.constant 0 : i32
      %dma_start3A_18 = tpu.memref_slice %arg4[%arg1, %dma_start3A_16, %dma_start3A_17] : memref<16x158x128xi32, #tpu.memory_space<hbm>> -> memref<1x158x128xi32, #tpu.memory_space<hbm>>
      %dma_start3A_19 = tpu.memref_squeeze %dma_start3A_18 : memref<1x158x128xi32, #tpu.memory_space<hbm>> -> memref<158x128xi32, #tpu.memory_space<hbm>>
      %dma_start3A_20 = arith.constant 0 : i32
      %dma_start3A_21 = arith.constant 0 : i32
      %dma_start3A_22 = tpu.memref_slice %arg4[%arg1, %dma_start3A_20, %dma_start3A_21] : memref<16x158x128xi32, #tpu.memory_space<hbm>> -> memref<1x158x128xi32, #tpu.memory_space<hbm>>
      %dma_start3A_23 = tpu.memref_squeeze %dma_start3A_22 : memref<1x158x128xi32, #tpu.memory_space<hbm>> -> memref<158x128xi32, #tpu.memory_space<hbm>>
      tpu.enqueue_dma source(%dma_start3A_23 : memref<158x128xi32, #tpu.memory_space<hbm>>) target(%arg8 : memref<158x128xi32, #tpu.memory_space<vmem>>) target_semaphore(%run_scoped3A : memref<!tpu.dma_semaphore, #tpu.memory_space<semaphore_mem>>)
      %dma_wait3A = arith.constant 0 : i32
      %dma_wait3A_24 = arith.constant 0 : i32
      %dma_wait3A_25 = tpu.memref_slice %arg4[%arg1, %dma_wait3A, %dma_wait3A_24] : memref<16x158x128xi32, #tpu.memory_space<hbm>> -> memref<1x158x128xi32, #tpu.memory_space<hbm>>
      %dma_wait3A_26 = tpu.memref_squeeze %dma_wait3A_25 : memref<1x158x128xi32, #tpu.memory_space<hbm>> -> memref<158x128xi32, #tpu.memory_space<hbm>>
      %dma_wait3A_27 = arith.constant 0 : i32
      %dma_wait3A_28 = arith.constant 0 : i32
      %dma_wait3A_29 = tpu.memref_slice %arg4[%arg1, %dma_wait3A_27, %dma_wait3A_28] : memref<16x158x128xi32, #tpu.memory_space<hbm>> -> memref<1x158x128xi32, #tpu.memory_space<hbm>>
      %dma_wait3A_30 = tpu.memref_squeeze %dma_wait3A_29 : memref<1x158x128xi32, #tpu.memory_space<hbm>> -> memref<158x128xi32, #tpu.memory_space<hbm>>
      tpu.wait_dma2 semaphore(%run_scoped3A : memref<!tpu.dma_semaphore, #tpu.memory_space<semaphore_mem>>) src(%dma_wait3A_30 : memref<158x128xi32, #tpu.memory_space<hbm>>) dst(%arg8 : memref<158x128xi32, #tpu.memory_space<vmem>>)
      tpu.yield
    }) : () -> ()
    %barrier3A = arith.constant 0 : index
    tpu.barrier barrier_id(%barrier3A)
    %dma_start3A = arith.constant 0 : i32
    %dma_start3A_1 = arith.constant 0 : i32
    %dma_start3A_2 = tpu.memref_slice %arg7[%dma_start3A, %dma_start3A_1] : memref<158x128xi32, #tpu.memory_space<vmem>> -> memref<1x128xi32, #tpu.memory_space<vmem>>
    %dma_start3A_3 = tpu.memref_squeeze %dma_start3A_2 : memref<1x128xi32, #tpu.memory_space<vmem>> -> memref<128xi32, #tpu.memory_space<vmem>>
    %dma_start3A_4 = arith.constant 0 : i32
    %dma_start3A_5 = arith.constant 0 : i32
    %dma_start3A_6 = tpu.memref_slice %arg2[%arg0, %dma_start3A_4, %dma_start3A_5] : memref<2x10000x80xf32, #tpu.memory_space<hbm>> -> memref<1x10000x80xf32, #tpu.memory_space<hbm>>
    %dma_start3A_7 = tpu.memref_squeeze %dma_start3A_6 : memref<1x10000x80xf32, #tpu.memory_space<hbm>> -> memref<10000x80xf32, #tpu.memory_space<hbm>>
    %dma_start3A_8 = arith.constant 0 : i32
    %dma_start3A_9 = arith.constant 0 : i32
    %dma_start3A_10 = tpu.memref_slice %dma_start3A_7[%dma_start3A_8, %dma_start3A_9] : memref<10000x80xf32, #tpu.memory_space<hbm>> -> memref<10000x80xf32, #tpu.memory_space<hbm>>
    tpu.enqueue_indirect_dma source(%dma_start3A_10 : memref<10000x80xf32, #tpu.memory_space<hbm>>) target(%arg9 : memref<128x80xf32, #tpu.memory_space<vmem>>) offsets(%dma_start3A_3 : memref<128xi32, #tpu.memory_space<vmem>>) semaphore(%arg12 : memref<!tpu.dma_semaphore, #tpu.memory_space<semaphore_mem>>)
    %scan3A = arith.constant 0 : i32
    %scan3A_11 = arith.constant 79 : i32
    %scan3A_12 = arith.addi %scan3A, %scan3A_11 : i32
    %scan3A_13 = arith.constant 1 : i32
    scf.for %scan3A_16 = %scan3A to %scan3A_12 step %scan3A_13  : i32 {
      %mul3A_17 = arith.constant 2 : i32
      %mul3A_18 = arith.muli %scan3A_16, %mul3A_17 : i32
      %add3A = arith.constant 0 : i32
      %add3A_19 = arith.addi %add3A, %mul3A_18 : i32
      %add3A_20 = arith.constant 0 : i32
      %add3A_21 = arith.addi %add3A_19, %add3A_20 : i32
      %dma_wait3A = arith.constant 0 : i32
      %dma_wait3A_22 = tpu.memref_slice %arg7[%add3A_21, %dma_wait3A] : memref<158x128xi32, #tpu.memory_space<vmem>> -> memref<1x128xi32, #tpu.memory_space<vmem>>
      %dma_wait3A_23 = tpu.memref_squeeze %dma_wait3A_22 : memref<1x128xi32, #tpu.memory_space<vmem>> -> memref<128xi32, #tpu.memory_space<vmem>>
      %dma_wait3A_24 = arith.constant 0 : i32
      %dma_wait3A_25 = arith.constant 0 : i32
      %dma_wait3A_26 = tpu.memref_slice %arg2[%arg0, %dma_wait3A_24, %dma_wait3A_25] : memref<2x10000x80xf32, #tpu.memory_space<hbm>> -> memref<1x10000x80xf32, #tpu.memory_space<hbm>>
      %dma_wait3A_27 = tpu.memref_squeeze %dma_wait3A_26 : memref<1x10000x80xf32, #tpu.memory_space<hbm>> -> memref<10000x80xf32, #tpu.memory_space<hbm>>
      %dma_wait3A_28 = arith.constant 0 : i32
      %dma_wait3A_29 = arith.constant 0 : i32
      %dma_wait3A_30 = tpu.memref_slice %dma_wait3A_27[%dma_wait3A_28, %dma_wait3A_29] : memref<10000x80xf32, #tpu.memory_space<hbm>> -> memref<10000x80xf32, #tpu.memory_space<hbm>>
      tpu.wait_indirect_dma semaphore(%arg12 : memref<!tpu.dma_semaphore, #tpu.memory_space<semaphore_mem>>) src(%dma_wait3A_30 : memref<10000x80xf32, #tpu.memory_space<hbm>>) dst(%arg9 : memref<128x80xf32, #tpu.memory_space<vmem>>)
      %add3A_31 = arith.constant 1 : i32
      %add3A_32 = arith.addi %add3A_21, %add3A_31 : i32
      %lt3A = arith.constant 158 : i32
      %lt3A_33 = arith.cmpi slt, %add3A_32, %lt3A : i32
      %convert_element_type3A = arith.extui %lt3A_33 : i1 to i32
      %cond3A = arith.constant 0 : i32
      %cond3A_34 = arith.cmpi ne, %convert_element_type3A, %cond3A : i32
      scf.if %cond3A_34 {
        %add3A_54 = arith.constant 1 : i32
        %add3A_55 = arith.addi %add3A_21, %add3A_54 : i32
        %dma_start3A_56 = arith.constant 0 : i32
        %dma_start3A_57 = tpu.memref_slice %arg7[%add3A_55, %dma_start3A_56] : memref<158x128xi32, #tpu.memory_space<vmem>> -> memref<1x128xi32, #tpu.memory_space<vmem>>
        %dma_start3A_58 = tpu.memref_squeeze %dma_start3A_57 : memref<1x128xi32, #tpu.memory_space<vmem>> -> memref<128xi32, #tpu.memory_space<vmem>>
        %dma_start3A_59 = arith.constant 0 : i32
        %dma_start3A_60 = arith.constant 0 : i32
        %dma_start3A_61 = tpu.memref_slice %arg2[%arg0, %dma_start3A_59, %dma_start3A_60] : memref<2x10000x80xf32, #tpu.memory_space<hbm>> -> memref<1x10000x80xf32, #tpu.memory_space<hbm>>
        %dma_start3A_62 = tpu.memref_squeeze %dma_start3A_61 : memref<1x10000x80xf32, #tpu.memory_space<hbm>> -> memref<10000x80xf32, #tpu.memory_space<hbm>>
        %dma_start3A_63 = arith.constant 0 : i32
        %dma_start3A_64 = arith.constant 0 : i32
        %dma_start3A_65 = tpu.memref_slice %dma_start3A_62[%dma_start3A_63, %dma_start3A_64] : memref<10000x80xf32, #tpu.memory_space<hbm>> -> memref<10000x80xf32, #tpu.memory_space<hbm>>
        tpu.enqueue_indirect_dma source(%dma_start3A_65 : memref<10000x80xf32, #tpu.memory_space<hbm>>) target(%arg10 : memref<128x80xf32, #tpu.memory_space<vmem>>) offsets(%dma_start3A_58 : memref<128xi32, #tpu.memory_space<vmem>>) semaphore(%arg13 : memref<!tpu.dma_semaphore, #tpu.memory_space<semaphore_mem>>)
      } else {
      }
      "tpu.region"() ({
        %run_scoped3A = tpu.sem_alloc : memref<!tpu.dma_semaphore, #tpu.memory_space<semaphore_mem>>
        %dma_start3A_54 = arith.constant 0 : i32
        %dma_start3A_55 = tpu.memref_slice %arg8[%add3A_21, %dma_start3A_54] : memref<158x128xi32, #tpu.memory_space<vmem>> -> memref<1x128xi32, #tpu.memory_space<vmem>>
        %dma_start3A_56 = tpu.memref_squeeze %dma_start3A_55 : memref<1x128xi32, #tpu.memory_space<vmem>> -> memref<128xi32, #tpu.memory_space<vmem>>
        %dma_start3A_57 = arith.constant 0 : i32
        %dma_start3A_58 = arith.constant 0 : i32
        %dma_start3A_59 = tpu.memref_slice %arg11[%dma_start3A_57, %dma_start3A_58] : memref<10240x80xf32, #tpu.memory_space<vmem_shared>> -> memref<10240x80xf32, #tpu.memory_space<vmem_shared>>
        tpu.enqueue_indirect_dma source(%arg9 : memref<128x80xf32, #tpu.memory_space<vmem>>) target(%dma_start3A_59 : memref<10240x80xf32, #tpu.memory_space<vmem_shared>>) offsets(%dma_start3A_56 : memref<128xi32, #tpu.memory_space<vmem>>) semaphore(%run_scoped3A : memref<!tpu.dma_semaphore, #tpu.memory_space<semaphore_mem>>) {add = true}
        %dma_wait3A_60 = arith.constant 0 : i32
        %dma_wait3A_61 = tpu.memref_slice %arg8[%add3A_21, %dma_wait3A_60] : memref<158x128xi32, #tpu.memory_space<vmem>> -> memref<1x128xi32, #tpu.memory_space<vmem>>
        %dma_wait3A_62 = tpu.memref_squeeze %dma_wait3A_61 : memref<1x128xi32, #tpu.memory_space<vmem>> -> memref<128xi32, #tpu.memory_space<vmem>>
        %dma_wait3A_63 = arith.constant 0 : i32
        %dma_wait3A_64 = arith.constant 0 : i32
        %dma_wait3A_65 = tpu.memref_slice %arg11[%dma_wait3A_63, %dma_wait3A_64] : memref<10240x80xf32, #tpu.memory_space<vmem_shared>> -> memref<10240x80xf32, #tpu.memory_space<vmem_shared>>
        tpu.wait_indirect_dma semaphore(%run_scoped3A : memref<!tpu.dma_semaphore, #tpu.memory_space<semaphore_mem>>) src(%arg9 : memref<128x80xf32, #tpu.memory_space<vmem>>) dst(%dma_wait3A_65 : memref<10240x80xf32, #tpu.memory_space<vmem_shared>>)
        tpu.yield
      }) : () -> ()
      %add3A_35 = arith.constant 1 : i32
      %add3A_36 = arith.addi %add3A_19, %add3A_35 : i32
      %dma_wait3A_37 = arith.constant 0 : i32
      %dma_wait3A_38 = tpu.memref_slice %arg7[%add3A_36, %dma_wait3A_37] : memref<158x128xi32, #tpu.memory_space<vmem>> -> memref<1x128xi32, #tpu.memory_space<vmem>>
      %dma_wait3A_39 = tpu.memref_squeeze %dma_wait3A_38 : memref<1x128xi32, #tpu.memory_space<vmem>> -> memref<128xi32, #tpu.memory_space<vmem>>
      %dma_wait3A_40 = arith.constant 0 : i32
      %dma_wait3A_41 = arith.constant 0 : i32
      %dma_wait3A_42 = tpu.memref_slice %arg2[%arg0, %dma_wait3A_40, %dma_wait3A_41] : memref<2x10000x80xf32, #tpu.memory_space<hbm>> -> memref<1x10000x80xf32, #tpu.memory_space<hbm>>
      %dma_wait3A_43 = tpu.memref_squeeze %dma_wait3A_42 : memref<1x10000x80xf32, #tpu.memory_space<hbm>> -> memref<10000x80xf32, #tpu.memory_space<hbm>>
      %dma_wait3A_44 = arith.constant 0 : i32
      %dma_wait3A_45 = arith.constant 0 : i32
      %dma_wait3A_46 = tpu.memref_slice %dma_wait3A_43[%dma_wait3A_44, %dma_wait3A_45] : memref<10000x80xf32, #tpu.memory_space<hbm>> -> memref<10000x80xf32, #tpu.memory_space<hbm>>
      tpu.wait_indirect_dma semaphore(%arg13 : memref<!tpu.dma_semaphore, #tpu.memory_space<semaphore_mem>>) src(%dma_wait3A_46 : memref<10000x80xf32, #tpu.memory_space<hbm>>) dst(%arg10 : memref<128x80xf32, #tpu.memory_space<vmem>>)
      %add3A_47 = arith.constant 1 : i32
      %add3A_48 = arith.addi %add3A_36, %add3A_47 : i32
      %lt3A_49 = arith.constant 158 : i32
      %lt3A_50 = arith.cmpi slt, %add3A_48, %lt3A_49 : i32
      %convert_element_type3A_51 = arith.extui %lt3A_50 : i1 to i32
      %cond3A_52 = arith.constant 0 : i32
      %cond3A_53 = arith.cmpi ne, %convert_element_type3A_51, %cond3A_52 : i32
      scf.if %cond3A_53 {
        %add3A_54 = arith.constant 1 : i32
        %add3A_55 = arith.addi %add3A_36, %add3A_54 : i32
        %dma_start3A_56 = arith.constant 0 : i32
        %dma_start3A_57 = tpu.memref_slice %arg7[%add3A_55, %dma_start3A_56] : memref<158x128xi32, #tpu.memory_space<vmem>> -> memref<1x128xi32, #tpu.memory_space<vmem>>
        %dma_start3A_58 = tpu.memref_squeeze %dma_start3A_57 : memref<1x128xi32, #tpu.memory_space<vmem>> -> memref<128xi32, #tpu.memory_space<vmem>>
        %dma_start3A_59 = arith.constant 0 : i32
        %dma_start3A_60 = arith.constant 0 : i32
        %dma_start3A_61 = tpu.memref_slice %arg2[%arg0, %dma_start3A_59, %dma_start3A_60] : memref<2x10000x80xf32, #tpu.memory_space<hbm>> -> memref<1x10000x80xf32, #tpu.memory_space<hbm>>
        %dma_start3A_62 = tpu.memref_squeeze %dma_start3A_61 : memref<1x10000x80xf32, #tpu.memory_space<hbm>> -> memref<10000x80xf32, #tpu.memory_space<hbm>>
        %dma_start3A_63 = arith.constant 0 : i32
        %dma_start3A_64 = arith.constant 0 : i32
        %dma_start3A_65 = tpu.memref_slice %dma_start3A_62[%dma_start3A_63, %dma_start3A_64] : memref<10000x80xf32, #tpu.memory_space<hbm>> -> memref<10000x80xf32, #tpu.memory_space<hbm>>
        tpu.enqueue_indirect_dma source(%dma_start3A_65 : memref<10000x80xf32, #tpu.memory_space<hbm>>) target(%arg9 : memref<128x80xf32, #tpu.memory_space<vmem>>) offsets(%dma_start3A_58 : memref<128xi32, #tpu.memory_space<vmem>>) semaphore(%arg12 : memref<!tpu.dma_semaphore, #tpu.memory_space<semaphore_mem>>)
      } else {
      }
      "tpu.region"() ({
        %run_scoped3A = tpu.sem_alloc : memref<!tpu.dma_semaphore, #tpu.memory_space<semaphore_mem>>
        %dma_start3A_54 = arith.constant 0 : i32
        %dma_start3A_55 = tpu.memref_slice %arg8[%add3A_36, %dma_start3A_54] : memref<158x128xi32, #tpu.memory_space<vmem>> -> memref<1x128xi32, #tpu.memory_space<vmem>>
        %dma_start3A_56 = tpu.memref_squeeze %dma_start3A_55 : memref<1x128xi32, #tpu.memory_space<vmem>> -> memref<128xi32, #tpu.memory_space<vmem>>
        %dma_start3A_57 = arith.constant 0 : i32
        %dma_start3A_58 = arith.constant 0 : i32
        %dma_start3A_59 = tpu.memref_slice %arg11[%dma_start3A_57, %dma_start3A_58] : memref<10240x80xf32, #tpu.memory_space<vmem_shared>> -> memref<10240x80xf32, #tpu.memory_space<vmem_shared>>
        tpu.enqueue_indirect_dma source(%arg10 : memref<128x80xf32, #tpu.memory_space<vmem>>) target(%dma_start3A_59 : memref<10240x80xf32, #tpu.memory_space<vmem_shared>>) offsets(%dma_start3A_56 : memref<128xi32, #tpu.memory_space<vmem>>) semaphore(%run_scoped3A : memref<!tpu.dma_semaphore, #tpu.memory_space<semaphore_mem>>) {add = true}
        %dma_wait3A_60 = arith.constant 0 : i32
        %dma_wait3A_61 = tpu.memref_slice %arg8[%add3A_36, %dma_wait3A_60] : memref<158x128xi32, #tpu.memory_space<vmem>> -> memref<1x128xi32, #tpu.memory_space<vmem>>
        %dma_wait3A_62 = tpu.memref_squeeze %dma_wait3A_61 : memref<1x128xi32, #tpu.memory_space<vmem>> -> memref<128xi32, #tpu.memory_space<vmem>>
        %dma_wait3A_63 = arith.constant 0 : i32
        %dma_wait3A_64 = arith.constant 0 : i32
        %dma_wait3A_65 = tpu.memref_slice %arg11[%dma_wait3A_63, %dma_wait3A_64] : memref<10240x80xf32, #tpu.memory_space<vmem_shared>> -> memref<10240x80xf32, #tpu.memory_space<vmem_shared>>
        tpu.wait_indirect_dma semaphore(%run_scoped3A : memref<!tpu.dma_semaphore, #tpu.memory_space<semaphore_mem>>) src(%arg10 : memref<128x80xf32, #tpu.memory_space<vmem>>) dst(%dma_wait3A_65 : memref<10240x80xf32, #tpu.memory_space<vmem_shared>>)
        tpu.yield
      }) : () -> ()
    }
    %scan3A_14 = arith.constant 79 : i32
    %barrier3A_15 = arith.constant 0 : index
    tpu.barrier barrier_id(%barrier3A_15)
    "tpu.region"() ({
      %run_scoped3A = tpu.sem_alloc : memref<!tpu.dma_semaphore, #tpu.memory_space<semaphore_mem>>
      %dma_start3A_16 = arith.constant 0 : i32
      %dma_start3A_17 = tpu.memref_slice %arg6[%arg0, %mul3A_0, %dma_start3A_16] : memref<2x10240x80xf32, #tpu.memory_space<hbm>> -> memref<1x640x80xf32, #tpu.memory_space<hbm>>
      %dma_start3A_18 = tpu.memref_squeeze %dma_start3A_17 : memref<1x640x80xf32, #tpu.memory_space<hbm>> -> memref<640x80xf32, #tpu.memory_space<hbm>>
      %dma_start3A_19 = arith.constant 0 : i32
      %dma_start3A_20 = tpu.memref_slice %arg11[%mul3A_0, %dma_start3A_19] : memref<10240x80xf32, #tpu.memory_space<vmem_shared>> -> memref<640x80xf32, #tpu.memory_space<vmem_shared>>
      tpu.enqueue_dma source(%dma_start3A_20 : memref<640x80xf32, #tpu.memory_space<vmem_shared>>) target(%dma_start3A_18 : memref<640x80xf32, #tpu.memory_space<hbm>>) target_semaphore(%run_scoped3A : memref<!tpu.dma_semaphore, #tpu.memory_space<semaphore_mem>>)
      %dma_wait3A = arith.constant 0 : i32
      %dma_wait3A_21 = tpu.memref_slice %arg6[%arg0, %mul3A_0, %dma_wait3A] : memref<2x10240x80xf32, #tpu.memory_space<hbm>> -> memref<1x640x80xf32, #tpu.memory_space<hbm>>
      %dma_wait3A_22 = tpu.memref_squeeze %dma_wait3A_21 : memref<1x640x80xf32, #tpu.memory_space<hbm>> -> memref<640x80xf32, #tpu.memory_space<hbm>>
      %dma_wait3A_23 = arith.constant 0 : i32
      %dma_wait3A_24 = tpu.memref_slice %arg11[%mul3A_0, %dma_wait3A_23] : memref<10240x80xf32, #tpu.memory_space<vmem_shared>> -> memref<640x80xf32, #tpu.memory_space<vmem_shared>>
      tpu.wait_dma2 semaphore(%run_scoped3A : memref<!tpu.dma_semaphore, #tpu.memory_space<semaphore_mem>>) src(%dma_wait3A_24 : memref<640x80xf32, #tpu.memory_space<vmem_shared>>) dst(%dma_wait3A_22 : memref<640x80xf32, #tpu.memory_space<hbm>>)
      tpu.yield
    }) : () -> ()
    return
  }
}

#map = affine_map<(d0, d1) -> (0, 0, 0)>
#map1 = affine_map<(d0, d1) -> (0, 0)>
module attributes {stable_mosaic.version = 14 : i64} {
  func.func @spmm(%arg0: i32, %arg1: i32, %arg2: memref<2x10000x80xf32, #tpu.memory_space<hbm>>, %arg3: memref<16x158x128xi32, #tpu.memory_space<hbm>>, %arg4: memref<16x158x128xi32, #tpu.memory_space<hbm>>, %arg5: memref<10240x80xf32, #tpu.memory_space<hbm>>, %arg6: memref<2x10240x80xf32, #tpu.memory_space<hbm>>, %arg7: memref<158x128xi32, #tpu.memory_space<vmem>>, %arg8: memref<158x128xi32, #tpu.memory_space<vmem>>, %arg9: memref<128x80xf32, #tpu.memory_space<vmem>>, %arg10: memref<128x80xf32, #tpu.memory_space<vmem>>, %arg11: memref<10240x80xf32, #tpu.memory_space<vmem_shared>>, %arg12: memref<!tpu.dma_semaphore, #tpu.memory_space<semaphore_mem>>, %arg13: memref<!tpu.dma_semaphore, #tpu.memory_space<semaphore_mem>>) attributes {dimension_semantics = [#tpu.dimension_semantics<core_parallel>, #tpu.dimension_semantics<subcore_parallel>], iteration_bounds = array<i64: 2, 16>, scalar_prefetch = 0 : i64, scratch_operands = 7 : i64, tpu.core_type = #tpu.core_type<sc_vector_subcore>, window_params = [{transform_indices = #map}, {transform_indices = #map}, {transform_indices = #map}, {transform_indices = #map1}, {transform_indices = #map}]} {
    %mul3A = arith.constant 640 : i32
    %mul3A_0 = arith.muli %arg1, %mul3A : i32
    "tpu.region"() ({
      %run_scoped3A = tpu.sem_alloc : memref<!tpu.dma_semaphore, #tpu.memory_space<semaphore_mem>>
      %dma_start3A_16 = arith.constant 0 : i32
      %dma_start3A_17 = tpu.memref_slice %arg11[%mul3A_0, %dma_start3A_16] : memref<10240x80xf32, #tpu.memory_space<vmem_shared>> -> memref<640x80xf32, #tpu.memory_space<vmem_shared>>
      %dma_start3A_18 = arith.constant 0 : i32
      %dma_start3A_19 = tpu.memref_slice %arg5[%mul3A_0, %dma_start3A_18] : memref<10240x80xf32, #tpu.memory_space<hbm>> -> memref<640x80xf32, #tpu.memory_space<hbm>>
      tpu.enqueue_dma source(%dma_start3A_19 : memref<640x80xf32, #tpu.memory_space<hbm>>) target(%dma_start3A_17 : memref<640x80xf32, #tpu.memory_space<vmem_shared>>) target_semaphore(%run_scoped3A : memref<!tpu.dma_semaphore, #tpu.memory_space<semaphore_mem>>)
      %dma_wait3A = arith.constant 0 : i32
      %dma_wait3A_20 = tpu.memref_slice %arg11[%mul3A_0, %dma_wait3A] : memref<10240x80xf32, #tpu.memory_space<vmem_shared>> -> memref<640x80xf32, #tpu.memory_space<vmem_shared>>
      %dma_wait3A_21 = arith.constant 0 : i32
      %dma_wait3A_22 = tpu.memref_slice %arg5[%mul3A_0, %dma_wait3A_21] : memref<10240x80xf32, #tpu.memory_space<hbm>> -> memref<640x80xf32, #tpu.memory_space<hbm>>
      tpu.wait_dma2 semaphore(%run_scoped3A : memref<!tpu.dma_semaphore, #tpu.memory_space<semaphore_mem>>) src(%dma_wait3A_22 : memref<640x80xf32, #tpu.memory_space<hbm>>) dst(%dma_wait3A_20 : memref<640x80xf32, #tpu.memory_space<vmem_shared>>)
      tpu.yield
    }) : () -> ()
    "tpu.region"() ({
      %run_scoped3A = tpu.sem_alloc : memref<!tpu.dma_semaphore, #tpu.memory_space<semaphore_mem>>
      %dma_start3A_16 = arith.constant 0 : i32
      %dma_start3A_17 = arith.constant 0 : i32
      %dma_start3A_18 = tpu.memref_slice %arg3[%arg1, %dma_start3A_16, %dma_start3A_17] : memref<16x158x128xi32, #tpu.memory_space<hbm>> -> memref<1x158x128xi32, #tpu.memory_space<hbm>>
      %dma_start3A_19 = tpu.memref_squeeze %dma_start3A_18 : memref<1x158x128xi32, #tpu.memory_space<hbm>> -> memref<158x128xi32, #tpu.memory_space<hbm>>
      %dma_start3A_20 = arith.constant 0 : i32
      %dma_start3A_21 = arith.constant 0 : i32
      %dma_start3A_22 = tpu.memref_slice %arg3[%arg1, %dma_start3A_20, %dma_start3A_21] : memref<16x158x128xi32, #tpu.memory_space<hbm>> -> memref<1x158x128xi32, #tpu.memory_space<hbm>>
      %dma_start3A_23 = tpu.memref_squeeze %dma_start3A_22 : memref<1x158x128xi32, #tpu.memory_space<hbm>> -> memref<158x128xi32, #tpu.memory_space<hbm>>
      tpu.enqueue_dma source(%dma_start3A_23 : memref<158x128xi32, #tpu.memory_space<hbm>>) target(%arg7 : memref<158x128xi32, #tpu.memory_space<vmem>>) target_semaphore(%run_scoped3A : memref<!tpu.dma_semaphore, #tpu.memory_space<semaphore_mem>>)
      %dma_wait3A = arith.constant 0 : i32
      %dma_wait3A_24 = arith.constant 0 : i32
      %dma_wait3A_25 = tpu.memref_slice %arg3[%arg1, %dma_wait3A, %dma_wait3A_24] : memref<16x158x128xi32, #tpu.memory_space<hbm>> -> memref<1x158x128xi32, #tpu.memory_space<hbm>>
      %dma_wait3A_26 = tpu.memref_squeeze %dma_wait3A_25 : memref<1x158x128xi32, #tpu.memory_space<hbm>> -> memref<158x128xi32, #tpu.memory_space<hbm>>
      %dma_wait3A_27 = arith.constant 0 : i32
      %dma_wait3A_28 = arith.constant 0 : i32
      %dma_wait3A_29 = tpu.memref_slice %arg3[%arg1, %dma_wait3A_27, %dma_wait3A_28] : memref<16x158x128xi32, #tpu.memory_space<hbm>> -> memref<1x158x128xi32, #tpu.memory_space<hbm>>
      %dma_wait3A_30 = tpu.memref_squeeze %dma_wait3A_29 : memref<1x158x128xi32, #tpu.memory_space<hbm>> -> memref<158x128xi32, #tpu.memory_space<hbm>>
      tpu.wait_dma2 semaphore(%run_scoped3A : memref<!tpu.dma_semaphore, #tpu.memory_space<semaphore_mem>>) src(%dma_wait3A_30 : memref<158x128xi32, #tpu.memory_space<hbm>>) dst(%arg7 : memref<158x128xi32, #tpu.memory_space<vmem>>)
      tpu.yield
    }) : () -> ()
    "tpu.region"() ({
      %run_scoped3A = tpu.sem_alloc : memref<!tpu.dma_semaphore, #tpu.memory_space<semaphore_mem>>
      %dma_start3A_16 = arith.constant 0 : i32
      %dma_start3A_17 = arith.constant 0 : i32
      %dma_start3A_18 = tpu.memref_slice %arg4[%arg1, %dma_start3A_16, %dma_start3A_17] : memref<16x158x128xi32, #tpu.memory_space<hbm>> -> memref<1x158x128xi32, #tpu.memory_space<hbm>>
      %dma_start3A_19 = tpu.memref_squeeze %dma_start3A_18 : memref<1x158x128xi32, #tpu.memory_space<hbm>> -> memref<158x128xi32, #tpu.memory_space<hbm>>
      %dma_start3A_20 = arith.constant 0 : i32
      %dma_start3A_21 = arith.constant 0 : i32
      %dma_start3A_22 = tpu.memref_slice %arg4[%arg1, %dma_start3A_20, %dma_start3A_21] : memref<16x158x128xi32, #tpu.memory_space<hbm>> -> memref<1x158x128xi32, #tpu.memory_space<hbm>>
      %dma_start3A_23 = tpu.memref_squeeze %dma_start3A_22 : memref<1x158x128xi32, #tpu.memory_space<hbm>> -> memref<158x128xi32, #tpu.memory_space<hbm>>
      tpu.enqueue_dma source(%dma_start3A_23 : memref<158x128xi32, #tpu.memory_space<hbm>>) target(%arg8 : memref<158x128xi32, #tpu.memory_space<vmem>>) target_semaphore(%run_scoped3A : memref<!tpu.dma_semaphore, #tpu.memory_space<semaphore_mem>>)
      %dma_wait3A = arith.constant 0 : i32
      %dma_wait3A_24 = arith.constant 0 : i32
      %dma_wait3A_25 = tpu.memref_slice %arg4[%arg1, %dma_wait3A, %dma_wait3A_24] : memref<16x158x128xi32, #tpu.memory_space<hbm>> -> memref<1x158x128xi32, #tpu.memory_space<hbm>>
      %dma_wait3A_26 = tpu.memref_squeeze %dma_wait3A_25 : memref<1x158x128xi32, #tpu.memory_space<hbm>> -> memref<158x128xi32, #tpu.memory_space<hbm>>
      %dma_wait3A_27 = arith.constant 0 : i32
      %dma_wait3A_28 = arith.constant 0 : i32
      %dma_wait3A_29 = tpu.memref_slice %arg4[%arg1, %dma_wait3A_27, %dma_wait3A_28] : memref<16x158x128xi32, #tpu.memory_space<hbm>> -> memref<1x158x128xi32, #tpu.memory_space<hbm>>
      %dma_wait3A_30 = tpu.memref_squeeze %dma_wait3A_29 : memref<1x158x128xi32, #tpu.memory_space<hbm>> -> memref<158x128xi32, #tpu.memory_space<hbm>>
      tpu.wait_dma2 semaphore(%run_scoped3A : memref<!tpu.dma_semaphore, #tpu.memory_space<semaphore_mem>>) src(%dma_wait3A_30 : memref<158x128xi32, #tpu.memory_space<hbm>>) dst(%arg8 : memref<158x128xi32, #tpu.memory_space<vmem>>)
      tpu.yield
    }) : () -> ()
    %barrier3A = arith.constant 0 : index
    tpu.barrier barrier_id(%barrier3A)
    %dma_start3A = arith.constant 0 : i32
    %dma_start3A_1 = arith.constant 0 : i32
    %dma_start3A_2 = tpu.memref_slice %arg7[%dma_start3A, %dma_start3A_1] : memref<158x128xi32, #tpu.memory_space<vmem>> -> memref<1x128xi32, #tpu.memory_space<vmem>>
    %dma_start3A_3 = tpu.memref_squeeze %dma_start3A_2 : memref<1x128xi32, #tpu.memory_space<vmem>> -> memref<128xi32, #tpu.memory_space<vmem>>
    %dma_start3A_4 = arith.constant 0 : i32
    %dma_start3A_5 = arith.constant 0 : i32
    %dma_start3A_6 = tpu.memref_slice %arg2[%arg0, %dma_start3A_4, %dma_start3A_5] : memref<2x10000x80xf32, #tpu.memory_space<hbm>> -> memref<1x10000x80xf32, #tpu.memory_space<hbm>>
    %dma_start3A_7 = tpu.memref_squeeze %dma_start3A_6 : memref<1x10000x80xf32, #tpu.memory_space<hbm>> -> memref<10000x80xf32, #tpu.memory_space<hbm>>
    %dma_start3A_8 = arith.constant 0 : i32
    %dma_start3A_9 = arith.constant 0 : i32
    %dma_start3A_10 = tpu.memref_slice %dma_start3A_7[%dma_start3A_8, %dma_start3A_9] : memref<10000x80xf32, #tpu.memory_space<hbm>> -> memref<10000x80xf32, #tpu.memory_space<hbm>>
    tpu.enqueue_indirect_dma source(%dma_start3A_10 : memref<10000x80xf32, #tpu.memory_space<hbm>>) target(%arg9 : memref<128x80xf32, #tpu.memory_space<vmem>>) offsets(%dma_start3A_3 : memref<128xi32, #tpu.memory_space<vmem>>) semaphore(%arg12 : memref<!tpu.dma_semaphore, #tpu.memory_space<semaphore_mem>>)
    %scan3A = arith.constant 0 : i32
    %scan3A_11 = arith.constant 79 : i32
    %scan3A_12 = arith.addi %scan3A, %scan3A_11 : i32
    %scan3A_13 = arith.constant 1 : i32
    scf.for %scan3A_16 = %scan3A to %scan3A_12 step %scan3A_13  : i32 {
      %mul3A_17 = arith.constant 2 : i32
      %mul3A_18 = arith.muli %scan3A_16, %mul3A_17 : i32
      %add3A = arith.constant 0 : i32
      %add3A_19 = arith.addi %add3A, %mul3A_18 : i32
      %add3A_20 = arith.constant 0 : i32
      %add3A_21 = arith.addi %add3A_19, %add3A_20 : i32
      %dma_wait3A = arith.constant 0 : i32
      %dma_wait3A_22 = tpu.memref_slice %arg7[%add3A_21, %dma_wait3A] : memref<158x128xi32, #tpu.memory_space<vmem>> -> memref<1x128xi32, #tpu.memory_space<vmem>>
      %dma_wait3A_23 = tpu.memref_squeeze %dma_wait3A_22 : memref<1x128xi32, #tpu.memory_space<vmem>> -> memref<128xi32, #tpu.memory_space<vmem>>
      %dma_wait3A_24 = arith.constant 0 : i32
      %dma_wait3A_25 = arith.constant 0 : i32
      %dma_wait3A_26 = tpu.memref_slice %arg2[%arg0, %dma_wait3A_24, %dma_wait3A_25] : memref<2x10000x80xf32, #tpu.memory_space<hbm>> -> memref<1x10000x80xf32, #tpu.memory_space<hbm>>
      %dma_wait3A_27 = tpu.memref_squeeze %dma_wait3A_26 : memref<1x10000x80xf32, #tpu.memory_space<hbm>> -> memref<10000x80xf32, #tpu.memory_space<hbm>>
      %dma_wait3A_28 = arith.constant 0 : i32
      %dma_wait3A_29 = arith.constant 0 : i32
      %dma_wait3A_30 = tpu.memref_slice %dma_wait3A_27[%dma_wait3A_28, %dma_wait3A_29] : memref<10000x80xf32, #tpu.memory_space<hbm>> -> memref<10000x80xf32, #tpu.memory_space<hbm>>
      tpu.wait_indirect_dma semaphore(%arg12 : memref<!tpu.dma_semaphore, #tpu.memory_space<semaphore_mem>>) src(%dma_wait3A_30 : memref<10000x80xf32, #tpu.memory_space<hbm>>) dst(%arg9 : memref<128x80xf32, #tpu.memory_space<vmem>>)
      %add3A_31 = arith.constant 1 : i32
      %add3A_32 = arith.addi %add3A_21, %add3A_31 : i32
      %lt3A = arith.constant 158 : i32
      %lt3A_33 = arith.cmpi slt, %add3A_32, %lt3A : i32
      %convert_element_type3A = arith.extui %lt3A_33 : i1 to i32
      %cond3A = arith.constant 0 : i32
      %cond3A_34 = arith.cmpi ne, %convert_element_type3A, %cond3A : i32
      scf.if %cond3A_34 {
        %add3A_54 = arith.constant 1 : i32
        %add3A_55 = arith.addi %add3A_21, %add3A_54 : i32
        %dma_start3A_56 = arith.constant 0 : i32
        %dma_start3A_57 = tpu.memref_slice %arg7[%add3A_55, %dma_start3A_56] : memref<158x128xi32, #tpu.memory_space<vmem>> -> memref<1x128xi32, #tpu.memory_space<vmem>>
        %dma_start3A_58 = tpu.memref_squeeze %dma_start3A_57 : memref<1x128xi32, #tpu.memory_space<vmem>> -> memref<128xi32, #tpu.memory_space<vmem>>
        %dma_start3A_59 = arith.constant 0 : i32
        %dma_start3A_60 = arith.constant 0 : i32
        %dma_start3A_61 = tpu.memref_slice %arg2[%arg0, %dma_start3A_59, %dma_start3A_60] : memref<2x10000x80xf32, #tpu.memory_space<hbm>> -> memref<1x10000x80xf32, #tpu.memory_space<hbm>>
        %dma_start3A_62 = tpu.memref_squeeze %dma_start3A_61 : memref<1x10000x80xf32, #tpu.memory_space<hbm>> -> memref<10000x80xf32, #tpu.memory_space<hbm>>
        %dma_start3A_63 = arith.constant 0 : i32
        %dma_start3A_64 = arith.constant 0 : i32
        %dma_start3A_65 = tpu.memref_slice %dma_start3A_62[%dma_start3A_63, %dma_start3A_64] : memref<10000x80xf32, #tpu.memory_space<hbm>> -> memref<10000x80xf32, #tpu.memory_space<hbm>>
        tpu.enqueue_indirect_dma source(%dma_start3A_65 : memref<10000x80xf32, #tpu.memory_space<hbm>>) target(%arg10 : memref<128x80xf32, #tpu.memory_space<vmem>>) offsets(%dma_start3A_58 : memref<128xi32, #tpu.memory_space<vmem>>) semaphore(%arg13 : memref<!tpu.dma_semaphore, #tpu.memory_space<semaphore_mem>>)
      } else {
      }
      "tpu.region"() ({
        %run_scoped3A = tpu.sem_alloc : memref<!tpu.dma_semaphore, #tpu.memory_space<semaphore_mem>>
        %dma_start3A_54 = arith.constant 0 : i32
        %dma_start3A_55 = tpu.memref_slice %arg8[%add3A_21, %dma_start3A_54] : memref<158x128xi32, #tpu.memory_space<vmem>> -> memref<1x128xi32, #tpu.memory_space<vmem>>
        %dma_start3A_56 = tpu.memref_squeeze %dma_start3A_55 : memref<1x128xi32, #tpu.memory_space<vmem>> -> memref<128xi32, #tpu.memory_space<vmem>>
        %dma_start3A_57 = arith.constant 0 : i32
        %dma_start3A_58 = arith.constant 0 : i32
        %dma_start3A_59 = tpu.memref_slice %arg11[%dma_start3A_57, %dma_start3A_58] : memref<10240x80xf32, #tpu.memory_space<vmem_shared>> -> memref<10240x80xf32, #tpu.memory_space<vmem_shared>>
        tpu.enqueue_indirect_dma source(%arg9 : memref<128x80xf32, #tpu.memory_space<vmem>>) target(%dma_start3A_59 : memref<10240x80xf32, #tpu.memory_space<vmem_shared>>) offsets(%dma_start3A_56 : memref<128xi32, #tpu.memory_space<vmem>>) semaphore(%run_scoped3A : memref<!tpu.dma_semaphore, #tpu.memory_space<semaphore_mem>>) {add = true}
        %dma_wait3A_60 = arith.constant 0 : i32
        %dma_wait3A_61 = tpu.memref_slice %arg8[%add3A_21, %dma_wait3A_60] : memref<158x128xi32, #tpu.memory_space<vmem>> -> memref<1x128xi32, #tpu.memory_space<vmem>>
        %dma_wait3A_62 = tpu.memref_squeeze %dma_wait3A_61 : memref<1x128xi32, #tpu.memory_space<vmem>> -> memref<128xi32, #tpu.memory_space<vmem>>
        %dma_wait3A_63 = arith.constant 0 : i32
        %dma_wait3A_64 = arith.constant 0 : i32
        %dma_wait3A_65 = tpu.memref_slice %arg11[%dma_wait3A_63, %dma_wait3A_64] : memref<10240x80xf32, #tpu.memory_space<vmem_shared>> -> memref<10240x80xf32, #tpu.memory_space<vmem_shared>>
        tpu.wait_indirect_dma semaphore(%run_scoped3A : memref<!tpu.dma_semaphore, #tpu.memory_space<semaphore_mem>>) src(%arg9 : memref<128x80xf32, #tpu.memory_space<vmem>>) dst(%dma_wait3A_65 : memref<10240x80xf32, #tpu.memory_space<vmem_shared>>)
        tpu.yield
      }) : () -> ()
      %add3A_35 = arith.constant 1 : i32
      %add3A_36 = arith.addi %add3A_19, %add3A_35 : i32
      %dma_wait3A_37 = arith.constant 0 : i32
      %dma_wait3A_38 = tpu.memref_slice %arg7[%add3A_36, %dma_wait3A_37] : memref<158x128xi32, #tpu.memory_space<vmem>> -> memref<1x128xi32, #tpu.memory_space<vmem>>
      %dma_wait3A_39 = tpu.memref_squeeze %dma_wait3A_38 : memref<1x128xi32, #tpu.memory_space<vmem>> -> memref<128xi32, #tpu.memory_space<vmem>>
      %dma_wait3A_40 = arith.constant 0 : i32
      %dma_wait3A_41 = arith.constant 0 : i32
      %dma_wait3A_42 = tpu.memref_slice %arg2[%arg0, %dma_wait3A_40, %dma_wait3A_41] : memref<2x10000x80xf32, #tpu.memory_space<hbm>> -> memref<1x10000x80xf32, #tpu.memory_space<hbm>>
      %dma_wait3A_43 = tpu.memref_squeeze %dma_wait3A_42 : memref<1x10000x80xf32, #tpu.memory_space<hbm>> -> memref<10000x80xf32, #tpu.memory_space<hbm>>
      %dma_wait3A_44 = arith.constant 0 : i32
      %dma_wait3A_45 = arith.constant 0 : i32
      %dma_wait3A_46 = tpu.memref_slice %dma_wait3A_43[%dma_wait3A_44, %dma_wait3A_45] : memref<10000x80xf32, #tpu.memory_space<hbm>> -> memref<10000x80xf32, #tpu.memory_space<hbm>>
      tpu.wait_indirect_dma semaphore(%arg13 : memref<!tpu.dma_semaphore, #tpu.memory_space<semaphore_mem>>) src(%dma_wait3A_46 : memref<10000x80xf32, #tpu.memory_space<hbm>>) dst(%arg10 : memref<128x80xf32, #tpu.memory_space<vmem>>)
      %add3A_47 = arith.constant 1 : i32
      %add3A_48 = arith.addi %add3A_36, %add3A_47 : i32
      %lt3A_49 = arith.constant 158 : i32
      %lt3A_50 = arith.cmpi slt, %add3A_48, %lt3A_49 : i32
      %convert_element_type3A_51 = arith.extui %lt3A_50 : i1 to i32
      %cond3A_52 = arith.constant 0 : i32
      %cond3A_53 = arith.cmpi ne, %convert_element_type3A_51, %cond3A_52 : i32
      scf.if %cond3A_53 {
        %add3A_54 = arith.constant 1 : i32
        %add3A_55 = arith.addi %add3A_36, %add3A_54 : i32
        %dma_start3A_56 = arith.constant 0 : i32
        %dma_start3A_57 = tpu.memref_slice %arg7[%add3A_55, %dma_start3A_56] : memref<158x128xi32, #tpu.memory_space<vmem>> -> memref<1x128xi32, #tpu.memory_space<vmem>>
        %dma_start3A_58 = tpu.memref_squeeze %dma_start3A_57 : memref<1x128xi32, #tpu.memory_space<vmem>> -> memref<128xi32, #tpu.memory_space<vmem>>
        %dma_start3A_59 = arith.constant 0 : i32
        %dma_start3A_60 = arith.constant 0 : i32
        %dma_start3A_61 = tpu.memref_slice %arg2[%arg0, %dma_start3A_59, %dma_start3A_60] : memref<2x10000x80xf32, #tpu.memory_space<hbm>> -> memref<1x10000x80xf32, #tpu.memory_space<hbm>>
        %dma_start3A_62 = tpu.memref_squeeze %dma_start3A_61 : memref<1x10000x80xf32, #tpu.memory_space<hbm>> -> memref<10000x80xf32, #tpu.memory_space<hbm>>
        %dma_start3A_63 = arith.constant 0 : i32
        %dma_start3A_64 = arith.constant 0 : i32
        %dma_start3A_65 = tpu.memref_slice %dma_start3A_62[%dma_start3A_63, %dma_start3A_64] : memref<10000x80xf32, #tpu.memory_space<hbm>> -> memref<10000x80xf32, #tpu.memory_space<hbm>>
        tpu.enqueue_indirect_dma source(%dma_start3A_65 : memref<10000x80xf32, #tpu.memory_space<hbm>>) target(%arg9 : memref<128x80xf32, #tpu.memory_space<vmem>>) offsets(%dma_start3A_58 : memref<128xi32, #tpu.memory_space<vmem>>) semaphore(%arg12 : memref<!tpu.dma_semaphore, #tpu.memory_space<semaphore_mem>>)
      } else {
      }
      "tpu.region"() ({
        %run_scoped3A = tpu.sem_alloc : memref<!tpu.dma_semaphore, #tpu.memory_space<semaphore_mem>>
        %dma_start3A_54 = arith.constant 0 : i32
        %dma_start3A_55 = tpu.memref_slice %arg8[%add3A_36, %dma_start3A_54] : memref<158x128xi32, #tpu.memory_space<vmem>> -> memref<1x128xi32, #tpu.memory_space<vmem>>
        %dma_start3A_56 = tpu.memref_squeeze %dma_start3A_55 : memref<1x128xi32, #tpu.memory_space<vmem>> -> memref<128xi32, #tpu.memory_space<vmem>>
        %dma_start3A_57 = arith.constant 0 : i32
        %dma_start3A_58 = arith.constant 0 : i32
        %dma_start3A_59 = tpu.memref_slice %arg11[%dma_start3A_57, %dma_start3A_58] : memref<10240x80xf32, #tpu.memory_space<vmem_shared>> -> memref<10240x80xf32, #tpu.memory_space<vmem_shared>>
        tpu.enqueue_indirect_dma source(%arg10 : memref<128x80xf32, #tpu.memory_space<vmem>>) target(%dma_start3A_59 : memref<10240x80xf32, #tpu.memory_space<vmem_shared>>) offsets(%dma_start3A_56 : memref<128xi32, #tpu.memory_space<vmem>>) semaphore(%run_scoped3A : memref<!tpu.dma_semaphore, #tpu.memory_space<semaphore_mem>>) {add = true}
        %dma_wait3A_60 = arith.constant 0 : i32
        %dma_wait3A_61 = tpu.memref_slice %arg8[%add3A_36, %dma_wait3A_60] : memref<158x128xi32, #tpu.memory_space<vmem>> -> memref<1x128xi32, #tpu.memory_space<vmem>>
        %dma_wait3A_62 = tpu.memref_squeeze %dma_wait3A_61 : memref<1x128xi32, #tpu.memory_space<vmem>> -> memref<128xi32, #tpu.memory_space<vmem>>
        %dma_wait3A_63 = arith.constant 0 : i32
        %dma_wait3A_64 = arith.constant 0 : i32
        %dma_wait3A_65 = tpu.memref_slice %arg11[%dma_wait3A_63, %dma_wait3A_64] : memref<10240x80xf32, #tpu.memory_space<vmem_shared>> -> memref<10240x80xf32, #tpu.memory_space<vmem_shared>>
        tpu.wait_indirect_dma semaphore(%run_scoped3A : memref<!tpu.dma_semaphore, #tpu.memory_space<semaphore_mem>>) src(%arg10 : memref<128x80xf32, #tpu.memory_space<vmem>>) dst(%dma_wait3A_65 : memref<10240x80xf32, #tpu.memory_space<vmem_shared>>)
        tpu.yield
      }) : () -> ()
    }
    %scan3A_14 = arith.constant 79 : i32
    %barrier3A_15 = arith.constant 0 : index
    tpu.barrier barrier_id(%barrier3A_15)
    "tpu.region"() ({
      %run_scoped3A = tpu.sem_alloc : memref<!tpu.dma_semaphore, #tpu.memory_space<semaphore_mem>>
      %dma_start3A_16 = arith.constant 0 : i32
      %dma_start3A_17 = tpu.memref_slice %arg6[%arg0, %mul3A_0, %dma_start3A_16] : memref<2x10240x80xf32, #tpu.memory_space<hbm>> -> memref<1x640x80xf32, #tpu.memory_space<hbm>>
      %dma_start3A_18 = tpu.memref_squeeze %dma_start3A_17 : memref<1x640x80xf32, #tpu.memory_space<hbm>> -> memref<640x80xf32, #tpu.memory_space<hbm>>
      %dma_start3A_19 = arith.constant 0 : i32
      %dma_start3A_20 = tpu.memref_slice %arg11[%mul3A_0, %dma_start3A_19] : memref<10240x80xf32, #tpu.memory_space<vmem_shared>> -> memref<640x80xf32, #tpu.memory_space<vmem_shared>>
      tpu.enqueue_dma source(%dma_start3A_20 : memref<640x80xf32, #tpu.memory_space<vmem_shared>>) target(%dma_start3A_18 : memref<640x80xf32, #tpu.memory_space<hbm>>) target_semaphore(%run_scoped3A : memref<!tpu.dma_semaphore, #tpu.memory_space<semaphore_mem>>)
      %dma_wait3A = arith.constant 0 : i32
      %dma_wait3A_21 = tpu.memref_slice %arg6[%arg0, %mul3A_0, %dma_wait3A] : memref<2x10240x80xf32, #tpu.memory_space<hbm>> -> memref<1x640x80xf32, #tpu.memory_space<hbm>>
      %dma_wait3A_22 = tpu.memref_squeeze %dma_wait3A_21 : memref<1x640x80xf32, #tpu.memory_space<hbm>> -> memref<640x80xf32, #tpu.memory_space<hbm>>
      %dma_wait3A_23 = arith.constant 0 : i32
      %dma_wait3A_24 = tpu.memref_slice %arg11[%mul3A_0, %dma_wait3A_23] : memref<10240x80xf32, #tpu.memory_space<vmem_shared>> -> memref<640x80xf32, #tpu.memory_space<vmem_shared>>
      tpu.wait_dma2 semaphore(%run_scoped3A : memref<!tpu.dma_semaphore, #tpu.memory_space<semaphore_mem>>) src(%dma_wait3A_24 : memref<640x80xf32, #tpu.memory_space<vmem_shared>>) dst(%dma_wait3A_22 : memref<640x80xf32, #tpu.memory_space<hbm>>)
      tpu.yield
    }) : () -> ()
    return
  }
}

#map = affine_map<(d0, d1) -> (0, 0, 0)>
#map1 = affine_map<(d0, d1) -> (0, 0)>
module attributes {stable_mosaic.version = 14 : i64} {
  func.func @spmm(%arg0: i32, %arg1: i32, %arg2: memref<2x10000x80xf32, #tpu.memory_space<hbm>>, %arg3: memref<16x158x128xi32, #tpu.memory_space<hbm>>, %arg4: memref<16x158x128xi32, #tpu.memory_space<hbm>>, %arg5: memref<10240x80xf32, #tpu.memory_space<hbm>>, %arg6: memref<2x10240x80xf32, #tpu.memory_space<hbm>>, %arg7: memref<158x128xi32, #tpu.memory_space<vmem>>, %arg8: memref<158x128xi32, #tpu.memory_space<vmem>>, %arg9: memref<128x80xf32, #tpu.memory_space<vmem>>, %arg10: memref<128x80xf32, #tpu.memory_space<vmem>>, %arg11: memref<10240x80xf32, #tpu.memory_space<vmem_shared>>, %arg12: memref<!tpu.dma_semaphore, #tpu.memory_space<semaphore_mem>>, %arg13: memref<!tpu.dma_semaphore, #tpu.memory_space<semaphore_mem>>) attributes {dimension_semantics = [#tpu.dimension_semantics<core_parallel>, #tpu.dimension_semantics<subcore_parallel>], iteration_bounds = array<i64: 2, 16>, scalar_prefetch = 0 : i64, scratch_operands = 7 : i64, tpu.core_type = #tpu.core_type<sc_vector_subcore>, window_params = [{transform_indices = #map}, {transform_indices = #map}, {transform_indices = #map}, {transform_indices = #map1}, {transform_indices = #map}]} {
    %mul3A = arith.constant 640 : i32
    %mul3A_0 = arith.muli %arg1, %mul3A : i32
    "tpu.region"() ({
      %run_scoped3A = tpu.sem_alloc : memref<!tpu.dma_semaphore, #tpu.memory_space<semaphore_mem>>
      %dma_start3A_16 = arith.constant 0 : i32
      %dma_start3A_17 = tpu.memref_slice %arg11[%mul3A_0, %dma_start3A_16] : memref<10240x80xf32, #tpu.memory_space<vmem_shared>> -> memref<640x80xf32, #tpu.memory_space<vmem_shared>>
      %dma_start3A_18 = arith.constant 0 : i32
      %dma_start3A_19 = tpu.memref_slice %arg5[%mul3A_0, %dma_start3A_18] : memref<10240x80xf32, #tpu.memory_space<hbm>> -> memref<640x80xf32, #tpu.memory_space<hbm>>
      tpu.enqueue_dma source(%dma_start3A_19 : memref<640x80xf32, #tpu.memory_space<hbm>>) target(%dma_start3A_17 : memref<640x80xf32, #tpu.memory_space<vmem_shared>>) target_semaphore(%run_scoped3A : memref<!tpu.dma_semaphore, #tpu.memory_space<semaphore_mem>>)
      %dma_wait3A = arith.constant 0 : i32
      %dma_wait3A_20 = tpu.memref_slice %arg11[%mul3A_0, %dma_wait3A] : memref<10240x80xf32, #tpu.memory_space<vmem_shared>> -> memref<640x80xf32, #tpu.memory_space<vmem_shared>>
      %dma_wait3A_21 = arith.constant 0 : i32
      %dma_wait3A_22 = tpu.memref_slice %arg5[%mul3A_0, %dma_wait3A_21] : memref<10240x80xf32, #tpu.memory_space<hbm>> -> memref<640x80xf32, #tpu.memory_space<hbm>>
      tpu.wait_dma2 semaphore(%run_scoped3A : memref<!tpu.dma_semaphore, #tpu.memory_space<semaphore_mem>>) src(%dma_wait3A_22 : memref<640x80xf32, #tpu.memory_space<hbm>>) dst(%dma_wait3A_20 : memref<640x80xf32, #tpu.memory_space<vmem_shared>>)
      tpu.yield
    }) : () -> ()
    "tpu.region"() ({
      %run_scoped3A = tpu.sem_alloc : memref<!tpu.dma_semaphore, #tpu.memory_space<semaphore_mem>>
      %dma_start3A_16 = arith.constant 0 : i32
      %dma_start3A_17 = arith.constant 0 : i32
      %dma_start3A_18 = tpu.memref_slice %arg3[%arg1, %dma_start3A_16, %dma_start3A_17] : memref<16x158x128xi32, #tpu.memory_space<hbm>> -> memref<1x158x128xi32, #tpu.memory_space<hbm>>
      %dma_start3A_19 = tpu.memref_squeeze %dma_start3A_18 : memref<1x158x128xi32, #tpu.memory_space<hbm>> -> memref<158x128xi32, #tpu.memory_space<hbm>>
      %dma_start3A_20 = arith.constant 0 : i32
      %dma_start3A_21 = arith.constant 0 : i32
      %dma_start3A_22 = tpu.memref_slice %arg3[%arg1, %dma_start3A_20, %dma_start3A_21] : memref<16x158x128xi32, #tpu.memory_space<hbm>> -> memref<1x158x128xi32, #tpu.memory_space<hbm>>
      %dma_start3A_23 = tpu.memref_squeeze %dma_start3A_22 : memref<1x158x128xi32, #tpu.memory_space<hbm>> -> memref<158x128xi32, #tpu.memory_space<hbm>>
      tpu.enqueue_dma source(%dma_start3A_23 : memref<158x128xi32, #tpu.memory_space<hbm>>) target(%arg7 : memref<158x128xi32, #tpu.memory_space<vmem>>) target_semaphore(%run_scoped3A : memref<!tpu.dma_semaphore, #tpu.memory_space<semaphore_mem>>)
      %dma_wait3A = arith.constant 0 : i32
      %dma_wait3A_24 = arith.constant 0 : i32
      %dma_wait3A_25 = tpu.memref_slice %arg3[%arg1, %dma_wait3A, %dma_wait3A_24] : memref<16x158x128xi32, #tpu.memory_space<hbm>> -> memref<1x158x128xi32, #tpu.memory_space<hbm>>
      %dma_wait3A_26 = tpu.memref_squeeze %dma_wait3A_25 : memref<1x158x128xi32, #tpu.memory_space<hbm>> -> memref<158x128xi32, #tpu.memory_space<hbm>>
      %dma_wait3A_27 = arith.constant 0 : i32
      %dma_wait3A_28 = arith.constant 0 : i32
      %dma_wait3A_29 = tpu.memref_slice %arg3[%arg1, %dma_wait3A_27, %dma_wait3A_28] : memref<16x158x128xi32, #tpu.memory_space<hbm>> -> memref<1x158x128xi32, #tpu.memory_space<hbm>>
      %dma_wait3A_30 = tpu.memref_squeeze %dma_wait3A_29 : memref<1x158x128xi32, #tpu.memory_space<hbm>> -> memref<158x128xi32, #tpu.memory_space<hbm>>
      tpu.wait_dma2 semaphore(%run_scoped3A : memref<!tpu.dma_semaphore, #tpu.memory_space<semaphore_mem>>) src(%dma_wait3A_30 : memref<158x128xi32, #tpu.memory_space<hbm>>) dst(%arg7 : memref<158x128xi32, #tpu.memory_space<vmem>>)
      tpu.yield
    }) : () -> ()
    "tpu.region"() ({
      %run_scoped3A = tpu.sem_alloc : memref<!tpu.dma_semaphore, #tpu.memory_space<semaphore_mem>>
      %dma_start3A_16 = arith.constant 0 : i32
      %dma_start3A_17 = arith.constant 0 : i32
      %dma_start3A_18 = tpu.memref_slice %arg4[%arg1, %dma_start3A_16, %dma_start3A_17] : memref<16x158x128xi32, #tpu.memory_space<hbm>> -> memref<1x158x128xi32, #tpu.memory_space<hbm>>
      %dma_start3A_19 = tpu.memref_squeeze %dma_start3A_18 : memref<1x158x128xi32, #tpu.memory_space<hbm>> -> memref<158x128xi32, #tpu.memory_space<hbm>>
      %dma_start3A_20 = arith.constant 0 : i32
      %dma_start3A_21 = arith.constant 0 : i32
      %dma_start3A_22 = tpu.memref_slice %arg4[%arg1, %dma_start3A_20, %dma_start3A_21] : memref<16x158x128xi32, #tpu.memory_space<hbm>> -> memref<1x158x128xi32, #tpu.memory_space<hbm>>
      %dma_start3A_23 = tpu.memref_squeeze %dma_start3A_22 : memref<1x158x128xi32, #tpu.memory_space<hbm>> -> memref<158x128xi32, #tpu.memory_space<hbm>>
      tpu.enqueue_dma source(%dma_start3A_23 : memref<158x128xi32, #tpu.memory_space<hbm>>) target(%arg8 : memref<158x128xi32, #tpu.memory_space<vmem>>) target_semaphore(%run_scoped3A : memref<!tpu.dma_semaphore, #tpu.memory_space<semaphore_mem>>)
      %dma_wait3A = arith.constant 0 : i32
      %dma_wait3A_24 = arith.constant 0 : i32
      %dma_wait3A_25 = tpu.memref_slice %arg4[%arg1, %dma_wait3A, %dma_wait3A_24] : memref<16x158x128xi32, #tpu.memory_space<hbm>> -> memref<1x158x128xi32, #tpu.memory_space<hbm>>
      %dma_wait3A_26 = tpu.memref_squeeze %dma_wait3A_25 : memref<1x158x128xi32, #tpu.memory_space<hbm>> -> memref<158x128xi32, #tpu.memory_space<hbm>>
      %dma_wait3A_27 = arith.constant 0 : i32
      %dma_wait3A_28 = arith.constant 0 : i32
      %dma_wait3A_29 = tpu.memref_slice %arg4[%arg1, %dma_wait3A_27, %dma_wait3A_28] : memref<16x158x128xi32, #tpu.memory_space<hbm>> -> memref<1x158x128xi32, #tpu.memory_space<hbm>>
      %dma_wait3A_30 = tpu.memref_squeeze %dma_wait3A_29 : memref<1x158x128xi32, #tpu.memory_space<hbm>> -> memref<158x128xi32, #tpu.memory_space<hbm>>
      tpu.wait_dma2 semaphore(%run_scoped3A : memref<!tpu.dma_semaphore, #tpu.memory_space<semaphore_mem>>) src(%dma_wait3A_30 : memref<158x128xi32, #tpu.memory_space<hbm>>) dst(%arg8 : memref<158x128xi32, #tpu.memory_space<vmem>>)
      tpu.yield
    }) : () -> ()
    %barrier3A = arith.constant 0 : index
    tpu.barrier barrier_id(%barrier3A)
    %dma_start3A = arith.constant 0 : i32
    %dma_start3A_1 = arith.constant 0 : i32
    %dma_start3A_2 = tpu.memref_slice %arg7[%dma_start3A, %dma_start3A_1] : memref<158x128xi32, #tpu.memory_space<vmem>> -> memref<1x128xi32, #tpu.memory_space<vmem>>
    %dma_start3A_3 = tpu.memref_squeeze %dma_start3A_2 : memref<1x128xi32, #tpu.memory_space<vmem>> -> memref<128xi32, #tpu.memory_space<vmem>>
    %dma_start3A_4 = arith.constant 0 : i32
    %dma_start3A_5 = arith.constant 0 : i32
    %dma_start3A_6 = tpu.memref_slice %arg2[%arg0, %dma_start3A_4, %dma_start3A_5] : memref<2x10000x80xf32, #tpu.memory_space<hbm>> -> memref<1x10000x80xf32, #tpu.memory_space<hbm>>
    %dma_start3A_7 = tpu.memref_squeeze %dma_start3A_6 : memref<1x10000x80xf32, #tpu.memory_space<hbm>> -> memref<10000x80xf32, #tpu.memory_space<hbm>>
    %dma_start3A_8 = arith.constant 0 : i32
    %dma_start3A_9 = arith.constant 0 : i32
    %dma_start3A_10 = tpu.memref_slice %dma_start3A_7[%dma_start3A_8, %dma_start3A_9] : memref<10000x80xf32, #tpu.memory_space<hbm>> -> memref<10000x80xf32, #tpu.memory_space<hbm>>
    tpu.enqueue_indirect_dma source(%dma_start3A_10 : memref<10000x80xf32, #tpu.memory_space<hbm>>) target(%arg9 : memref<128x80xf32, #tpu.memory_space<vmem>>) offsets(%dma_start3A_3 : memref<128xi32, #tpu.memory_space<vmem>>) semaphore(%arg12 : memref<!tpu.dma_semaphore, #tpu.memory_space<semaphore_mem>>)
    %scan3A = arith.constant 0 : i32
    %scan3A_11 = arith.constant 79 : i32
    %scan3A_12 = arith.addi %scan3A, %scan3A_11 : i32
    %scan3A_13 = arith.constant 1 : i32
    scf.for %scan3A_16 = %scan3A to %scan3A_12 step %scan3A_13  : i32 {
      %mul3A_17 = arith.constant 2 : i32
      %mul3A_18 = arith.muli %scan3A_16, %mul3A_17 : i32
      %add3A = arith.constant 0 : i32
      %add3A_19 = arith.addi %add3A, %mul3A_18 : i32
      %add3A_20 = arith.constant 0 : i32
      %add3A_21 = arith.addi %add3A_19, %add3A_20 : i32
      %dma_wait3A = arith.constant 0 : i32
      %dma_wait3A_22 = tpu.memref_slice %arg7[%add3A_21, %dma_wait3A] : memref<158x128xi32, #tpu.memory_space<vmem>> -> memref<1x128xi32, #tpu.memory_space<vmem>>
      %dma_wait3A_23 = tpu.memref_squeeze %dma_wait3A_22 : memref<1x128xi32, #tpu.memory_space<vmem>> -> memref<128xi32, #tpu.memory_space<vmem>>
      %dma_wait3A_24 = arith.constant 0 : i32
      %dma_wait3A_25 = arith.constant 0 : i32
      %dma_wait3A_26 = tpu.memref_slice %arg2[%arg0, %dma_wait3A_24, %dma_wait3A_25] : memref<2x10000x80xf32, #tpu.memory_space<hbm>> -> memref<1x10000x80xf32, #tpu.memory_space<hbm>>
      %dma_wait3A_27 = tpu.memref_squeeze %dma_wait3A_26 : memref<1x10000x80xf32, #tpu.memory_space<hbm>> -> memref<10000x80xf32, #tpu.memory_space<hbm>>
      %dma_wait3A_28 = arith.constant 0 : i32
      %dma_wait3A_29 = arith.constant 0 : i32
      %dma_wait3A_30 = tpu.memref_slice %dma_wait3A_27[%dma_wait3A_28, %dma_wait3A_29] : memref<10000x80xf32, #tpu.memory_space<hbm>> -> memref<10000x80xf32, #tpu.memory_space<hbm>>
      tpu.wait_indirect_dma semaphore(%arg12 : memref<!tpu.dma_semaphore, #tpu.memory_space<semaphore_mem>>) src(%dma_wait3A_30 : memref<10000x80xf32, #tpu.memory_space<hbm>>) dst(%arg9 : memref<128x80xf32, #tpu.memory_space<vmem>>)
      %add3A_31 = arith.constant 1 : i32
      %add3A_32 = arith.addi %add3A_21, %add3A_31 : i32
      %lt3A = arith.constant 158 : i32
      %lt3A_33 = arith.cmpi slt, %add3A_32, %lt3A : i32
      %convert_element_type3A = arith.extui %lt3A_33 : i1 to i32
      %cond3A = arith.constant 0 : i32
      %cond3A_34 = arith.cmpi ne, %convert_element_type3A, %cond3A : i32
      scf.if %cond3A_34 {
        %add3A_54 = arith.constant 1 : i32
        %add3A_55 = arith.addi %add3A_21, %add3A_54 : i32
        %dma_start3A_56 = arith.constant 0 : i32
        %dma_start3A_57 = tpu.memref_slice %arg7[%add3A_55, %dma_start3A_56] : memref<158x128xi32, #tpu.memory_space<vmem>> -> memref<1x128xi32, #tpu.memory_space<vmem>>
        %dma_start3A_58 = tpu.memref_squeeze %dma_start3A_57 : memref<1x128xi32, #tpu.memory_space<vmem>> -> memref<128xi32, #tpu.memory_space<vmem>>
        %dma_start3A_59 = arith.constant 0 : i32
        %dma_start3A_60 = arith.constant 0 : i32
        %dma_start3A_61 = tpu.memref_slice %arg2[%arg0, %dma_start3A_59, %dma_start3A_60] : memref<2x10000x80xf32, #tpu.memory_space<hbm>> -> memref<1x10000x80xf32, #tpu.memory_space<hbm>>
        %dma_start3A_62 = tpu.memref_squeeze %dma_start3A_61 : memref<1x10000x80xf32, #tpu.memory_space<hbm>> -> memref<10000x80xf32, #tpu.memory_space<hbm>>
        %dma_start3A_63 = arith.constant 0 : i32
        %dma_start3A_64 = arith.constant 0 : i32
        %dma_start3A_65 = tpu.memref_slice %dma_start3A_62[%dma_start3A_63, %dma_start3A_64] : memref<10000x80xf32, #tpu.memory_space<hbm>> -> memref<10000x80xf32, #tpu.memory_space<hbm>>
        tpu.enqueue_indirect_dma source(%dma_start3A_65 : memref<10000x80xf32, #tpu.memory_space<hbm>>) target(%arg10 : memref<128x80xf32, #tpu.memory_space<vmem>>) offsets(%dma_start3A_58 : memref<128xi32, #tpu.memory_space<vmem>>) semaphore(%arg13 : memref<!tpu.dma_semaphore, #tpu.memory_space<semaphore_mem>>)
      } else {
      }
      "tpu.region"() ({
        %run_scoped3A = tpu.sem_alloc : memref<!tpu.dma_semaphore, #tpu.memory_space<semaphore_mem>>
        %dma_start3A_54 = arith.constant 0 : i32
        %dma_start3A_55 = tpu.memref_slice %arg8[%add3A_21, %dma_start3A_54] : memref<158x128xi32, #tpu.memory_space<vmem>> -> memref<1x128xi32, #tpu.memory_space<vmem>>
        %dma_start3A_56 = tpu.memref_squeeze %dma_start3A_55 : memref<1x128xi32, #tpu.memory_space<vmem>> -> memref<128xi32, #tpu.memory_space<vmem>>
        %dma_start3A_57 = arith.constant 0 : i32
        %dma_start3A_58 = arith.constant 0 : i32
        %dma_start3A_59 = tpu.memref_slice %arg11[%dma_start3A_57, %dma_start3A_58] : memref<10240x80xf32, #tpu.memory_space<vmem_shared>> -> memref<10240x80xf32, #tpu.memory_space<vmem_shared>>
        tpu.enqueue_indirect_dma source(%arg9 : memref<128x80xf32, #tpu.memory_space<vmem>>) target(%dma_start3A_59 : memref<10240x80xf32, #tpu.memory_space<vmem_shared>>) offsets(%dma_start3A_56 : memref<128xi32, #tpu.memory_space<vmem>>) semaphore(%run_scoped3A : memref<!tpu.dma_semaphore, #tpu.memory_space<semaphore_mem>>) {add = true}
        %dma_wait3A_60 = arith.constant 0 : i32
        %dma_wait3A_61 = tpu.memref_slice %arg8[%add3A_21, %dma_wait3A_60] : memref<158x128xi32, #tpu.memory_space<vmem>> -> memref<1x128xi32, #tpu.memory_space<vmem>>
        %dma_wait3A_62 = tpu.memref_squeeze %dma_wait3A_61 : memref<1x128xi32, #tpu.memory_space<vmem>> -> memref<128xi32, #tpu.memory_space<vmem>>
        %dma_wait3A_63 = arith.constant 0 : i32
        %dma_wait3A_64 = arith.constant 0 : i32
        %dma_wait3A_65 = tpu.memref_slice %arg11[%dma_wait3A_63, %dma_wait3A_64] : memref<10240x80xf32, #tpu.memory_space<vmem_shared>> -> memref<10240x80xf32, #tpu.memory_space<vmem_shared>>
        tpu.wait_indirect_dma semaphore(%run_scoped3A : memref<!tpu.dma_semaphore, #tpu.memory_space<semaphore_mem>>) src(%arg9 : memref<128x80xf32, #tpu.memory_space<vmem>>) dst(%dma_wait3A_65 : memref<10240x80xf32, #tpu.memory_space<vmem_shared>>)
        tpu.yield
      }) : () -> ()
      %add3A_35 = arith.constant 1 : i32
      %add3A_36 = arith.addi %add3A_19, %add3A_35 : i32
      %dma_wait3A_37 = arith.constant 0 : i32
      %dma_wait3A_38 = tpu.memref_slice %arg7[%add3A_36, %dma_wait3A_37] : memref<158x128xi32, #tpu.memory_space<vmem>> -> memref<1x128xi32, #tpu.memory_space<vmem>>
      %dma_wait3A_39 = tpu.memref_squeeze %dma_wait3A_38 : memref<1x128xi32, #tpu.memory_space<vmem>> -> memref<128xi32, #tpu.memory_space<vmem>>
      %dma_wait3A_40 = arith.constant 0 : i32
      %dma_wait3A_41 = arith.constant 0 : i32
      %dma_wait3A_42 = tpu.memref_slice %arg2[%arg0, %dma_wait3A_40, %dma_wait3A_41] : memref<2x10000x80xf32, #tpu.memory_space<hbm>> -> memref<1x10000x80xf32, #tpu.memory_space<hbm>>
      %dma_wait3A_43 = tpu.memref_squeeze %dma_wait3A_42 : memref<1x10000x80xf32, #tpu.memory_space<hbm>> -> memref<10000x80xf32, #tpu.memory_space<hbm>>
      %dma_wait3A_44 = arith.constant 0 : i32
      %dma_wait3A_45 = arith.constant 0 : i32
      %dma_wait3A_46 = tpu.memref_slice %dma_wait3A_43[%dma_wait3A_44, %dma_wait3A_45] : memref<10000x80xf32, #tpu.memory_space<hbm>> -> memref<10000x80xf32, #tpu.memory_space<hbm>>
      tpu.wait_indirect_dma semaphore(%arg13 : memref<!tpu.dma_semaphore, #tpu.memory_space<semaphore_mem>>) src(%dma_wait3A_46 : memref<10000x80xf32, #tpu.memory_space<hbm>>) dst(%arg10 : memref<128x80xf32, #tpu.memory_space<vmem>>)
      %add3A_47 = arith.constant 1 : i32
      %add3A_48 = arith.addi %add3A_36, %add3A_47 : i32
      %lt3A_49 = arith.constant 158 : i32
      %lt3A_50 = arith.cmpi slt, %add3A_48, %lt3A_49 : i32
      %convert_element_type3A_51 = arith.extui %lt3A_50 : i1 to i32
      %cond3A_52 = arith.constant 0 : i32
      %cond3A_53 = arith.cmpi ne, %convert_element_type3A_51, %cond3A_52 : i32
      scf.if %cond3A_53 {
        %add3A_54 = arith.constant 1 : i32
        %add3A_55 = arith.addi %add3A_36, %add3A_54 : i32
        %dma_start3A_56 = arith.constant 0 : i32
        %dma_start3A_57 = tpu.memref_slice %arg7[%add3A_55, %dma_start3A_56] : memref<158x128xi32, #tpu.memory_space<vmem>> -> memref<1x128xi32, #tpu.memory_space<vmem>>
        %dma_start3A_58 = tpu.memref_squeeze %dma_start3A_57 : memref<1x128xi32, #tpu.memory_space<vmem>> -> memref<128xi32, #tpu.memory_space<vmem>>
        %dma_start3A_59 = arith.constant 0 : i32
        %dma_start3A_60 = arith.constant 0 : i32
        %dma_start3A_61 = tpu.memref_slice %arg2[%arg0, %dma_start3A_59, %dma_start3A_60] : memref<2x10000x80xf32, #tpu.memory_space<hbm>> -> memref<1x10000x80xf32, #tpu.memory_space<hbm>>
        %dma_start3A_62 = tpu.memref_squeeze %dma_start3A_61 : memref<1x10000x80xf32, #tpu.memory_space<hbm>> -> memref<10000x80xf32, #tpu.memory_space<hbm>>
        %dma_start3A_63 = arith.constant 0 : i32
        %dma_start3A_64 = arith.constant 0 : i32
        %dma_start3A_65 = tpu.memref_slice %dma_start3A_62[%dma_start3A_63, %dma_start3A_64] : memref<10000x80xf32, #tpu.memory_space<hbm>> -> memref<10000x80xf32, #tpu.memory_space<hbm>>
        tpu.enqueue_indirect_dma source(%dma_start3A_65 : memref<10000x80xf32, #tpu.memory_space<hbm>>) target(%arg9 : memref<128x80xf32, #tpu.memory_space<vmem>>) offsets(%dma_start3A_58 : memref<128xi32, #tpu.memory_space<vmem>>) semaphore(%arg12 : memref<!tpu.dma_semaphore, #tpu.memory_space<semaphore_mem>>)
      } else {
      }
      "tpu.region"() ({
        %run_scoped3A = tpu.sem_alloc : memref<!tpu.dma_semaphore, #tpu.memory_space<semaphore_mem>>
        %dma_start3A_54 = arith.constant 0 : i32
        %dma_start3A_55 = tpu.memref_slice %arg8[%add3A_36, %dma_start3A_54] : memref<158x128xi32, #tpu.memory_space<vmem>> -> memref<1x128xi32, #tpu.memory_space<vmem>>
        %dma_start3A_56 = tpu.memref_squeeze %dma_start3A_55 : memref<1x128xi32, #tpu.memory_space<vmem>> -> memref<128xi32, #tpu.memory_space<vmem>>
        %dma_start3A_57 = arith.constant 0 : i32
        %dma_start3A_58 = arith.constant 0 : i32
        %dma_start3A_59 = tpu.memref_slice %arg11[%dma_start3A_57, %dma_start3A_58] : memref<10240x80xf32, #tpu.memory_space<vmem_shared>> -> memref<10240x80xf32, #tpu.memory_space<vmem_shared>>
        tpu.enqueue_indirect_dma source(%arg10 : memref<128x80xf32, #tpu.memory_space<vmem>>) target(%dma_start3A_59 : memref<10240x80xf32, #tpu.memory_space<vmem_shared>>) offsets(%dma_start3A_56 : memref<128xi32, #tpu.memory_space<vmem>>) semaphore(%run_scoped3A : memref<!tpu.dma_semaphore, #tpu.memory_space<semaphore_mem>>) {add = true}
        %dma_wait3A_60 = arith.constant 0 : i32
        %dma_wait3A_61 = tpu.memref_slice %arg8[%add3A_36, %dma_wait3A_60] : memref<158x128xi32, #tpu.memory_space<vmem>> -> memref<1x128xi32, #tpu.memory_space<vmem>>
        %dma_wait3A_62 = tpu.memref_squeeze %dma_wait3A_61 : memref<1x128xi32, #tpu.memory_space<vmem>> -> memref<128xi32, #tpu.memory_space<vmem>>
        %dma_wait3A_63 = arith.constant 0 : i32
        %dma_wait3A_64 = arith.constant 0 : i32
        %dma_wait3A_65 = tpu.memref_slice %arg11[%dma_wait3A_63, %dma_wait3A_64] : memref<10240x80xf32, #tpu.memory_space<vmem_shared>> -> memref<10240x80xf32, #tpu.memory_space<vmem_shared>>
        tpu.wait_indirect_dma semaphore(%run_scoped3A : memref<!tpu.dma_semaphore, #tpu.memory_space<semaphore_mem>>) src(%arg10 : memref<128x80xf32, #tpu.memory_space<vmem>>) dst(%dma_wait3A_65 : memref<10240x80xf32, #tpu.memory_space<vmem_shared>>)
        tpu.yield
      }) : () -> ()
    }
    %scan3A_14 = arith.constant 79 : i32
    %barrier3A_15 = arith.constant 0 : index
    tpu.barrier barrier_id(%barrier3A_15)
    "tpu.region"() ({
      %run_scoped3A = tpu.sem_alloc : memref<!tpu.dma_semaphore, #tpu.memory_space<semaphore_mem>>
      %dma_start3A_16 = arith.constant 0 : i32
      %dma_start3A_17 = tpu.memref_slice %arg6[%arg0, %mul3A_0, %dma_start3A_16] : memref<2x10240x80xf32, #tpu.memory_space<hbm>> -> memref<1x640x80xf32, #tpu.memory_space<hbm>>
      %dma_start3A_18 = tpu.memref_squeeze %dma_start3A_17 : memref<1x640x80xf32, #tpu.memory_space<hbm>> -> memref<640x80xf32, #tpu.memory_space<hbm>>
      %dma_start3A_19 = arith.constant 0 : i32
      %dma_start3A_20 = tpu.memref_slice %arg11[%mul3A_0, %dma_start3A_19] : memref<10240x80xf32, #tpu.memory_space<vmem_shared>> -> memref<640x80xf32, #tpu.memory_space<vmem_shared>>
      tpu.enqueue_dma source(%dma_start3A_20 : memref<640x80xf32, #tpu.memory_space<vmem_shared>>) target(%dma_start3A_18 : memref<640x80xf32, #tpu.memory_space<hbm>>) target_semaphore(%run_scoped3A : memref<!tpu.dma_semaphore, #tpu.memory_space<semaphore_mem>>)
      %dma_wait3A = arith.constant 0 : i32
      %dma_wait3A_21 = tpu.memref_slice %arg6[%arg0, %mul3A_0, %dma_wait3A] : memref<2x10240x80xf32, #tpu.memory_space<hbm>> -> memref<1x640x80xf32, #tpu.memory_space<hbm>>
      %dma_wait3A_22 = tpu.memref_squeeze %dma_wait3A_21 : memref<1x640x80xf32, #tpu.memory_space<hbm>> -> memref<640x80xf32, #tpu.memory_space<hbm>>
      %dma_wait3A_23 = arith.constant 0 : i32
      %dma_wait3A_24 = tpu.memref_slice %arg11[%mul3A_0, %dma_wait3A_23] : memref<10240x80xf32, #tpu.memory_space<vmem_shared>> -> memref<640x80xf32, #tpu.memory_space<vmem_shared>>
      tpu.wait_dma2 semaphore(%run_scoped3A : memref<!tpu.dma_semaphore, #tpu.memory_space<semaphore_mem>>) src(%dma_wait3A_24 : memref<640x80xf32, #tpu.memory_space<vmem_shared>>) dst(%dma_wait3A_22 : memref<640x80xf32, #tpu.memory_space<hbm>>)
      tpu.yield
    }) : () -> ()
    return
  }
}

module attributes {stable_mosaic.version = 14 : i64} {
  func.func @_dense1_body(%arg0: i32, %arg1: memref<400x80xf32, #tpu.memory_space<vmem>>, %arg2: memref<400x80xf32, #tpu.memory_space<vmem>>, %arg3: memref<400x80xf32, #tpu.memory_space<vmem>>, %arg4: memref<400x80xf32, #tpu.memory_space<vmem>>, %arg5: memref<400x128xf32, #tpu.memory_space<vmem>>, %arg6: memref<400x128xf32, #tpu.memory_space<vmem>>, %arg7: memref<128x128xf32, #tpu.memory_space<vmem>>, %arg8: memref<128x128xf32, #tpu.memory_space<vmem>>, %arg9: memref<1x128xf32, #tpu.memory_space<vmem>>, %arg10: memref<128x128xf32, #tpu.memory_space<vmem>>, %arg11: memref<1x128xf32, #tpu.memory_space<vmem>>, %arg12: memref<128x128xf32, #tpu.memory_space<vmem>>, %arg13: memref<128x128xf32, #tpu.memory_space<vmem>>, %arg14: memref<1x128xf32, #tpu.memory_space<vmem>>, %arg15: memref<128x128xf32, #tpu.memory_space<vmem>>, %arg16: memref<1x128xf32, #tpu.memory_space<vmem>>, %arg17: memref<2x400x80xf32, #tpu.memory_space<vmem>>, %arg18: memref<400x128xf32, #tpu.memory_space<vmem>>) attributes {dimension_semantics = [#tpu.dimension_semantics<arbitrary>], iteration_bounds = array<i64: 25>, scalar_prefetch = 0 : i64, scratch_operands = 0 : i64, tpu.core_type = #tpu.core_type<tc>, window_params = [{transform_indices = @transform_0, window_bounds = array<i64: 400, 80>}, {transform_indices = @transform_1, window_bounds = array<i64: 400, 80>}, {transform_indices = @transform_2, window_bounds = array<i64: 400, 80>}, {transform_indices = @transform_3, window_bounds = array<i64: 400, 80>}, {transform_indices = @transform_4, window_bounds = array<i64: 400, 128>}, {transform_indices = @transform_5, window_bounds = array<i64: 400, 128>}, {pipeline_mode = #tpu.pipeline_mode<synchronous>, transform_indices = @transform_6, window_bounds = array<i64: 128, 128>}, {pipeline_mode = #tpu.pipeline_mode<synchronous>, transform_indices = @transform_7, window_bounds = array<i64: 128, 128>}, {pipeline_mode = #tpu.pipeline_mode<synchronous>, transform_indices = @transform_8, window_bounds = array<i64: 1, 128>}, {pipeline_mode = #tpu.pipeline_mode<synchronous>, transform_indices = @transform_9, window_bounds = array<i64: 128, 128>}, {pipeline_mode = #tpu.pipeline_mode<synchronous>, transform_indices = @transform_10, window_bounds = array<i64: 1, 128>}, {pipeline_mode = #tpu.pipeline_mode<synchronous>, transform_indices = @transform_11, window_bounds = array<i64: 128, 128>}, {pipeline_mode = #tpu.pipeline_mode<synchronous>, transform_indices = @transform_12, window_bounds = array<i64: 128, 128>}, {pipeline_mode = #tpu.pipeline_mode<synchronous>, transform_indices = @transform_13, window_bounds = array<i64: 1, 128>}, {pipeline_mode = #tpu.pipeline_mode<synchronous>, transform_indices = @transform_14, window_bounds = array<i64: 128, 128>}, {pipeline_mode = #tpu.pipeline_mode<synchronous>, transform_indices = @transform_15, window_bounds = array<i64: 1, 128>}, {transform_indices = @transform_16, window_bounds = array<i64: 2, 400, 80>}, {transform_indices = @transform_17, window_bounds = array<i64: 400, 128>}]} {
    %get3A = arith.constant 0 : index
    %get3A_0 = arith.constant 0 : index
    %get3A_1 = vector.load %arg1[%get3A, %get3A_0] : memref<400x80xf32, #tpu.memory_space<vmem>>, vector<400x80xf32>
    %get3A_2 = arith.constant 0 : index
    %get3A_3 = arith.constant 0 : index
    %get3A_4 = vector.load %arg2[%get3A_2, %get3A_3] : memref<400x80xf32, #tpu.memory_space<vmem>>, vector<400x80xf32>
    %slice3A = vector.extract_strided_slice %get3A_1 {offsets = [0, 0], sizes = [400, 72], strides = [1, 1]} : vector<400x80xf32> to vector<400x72xf32>
    %slice3A_5 = vector.extract_strided_slice %get3A_4 {offsets = [0, 0], sizes = [400, 56], strides = [1, 1]} : vector<400x80xf32> to vector<400x56xf32>
    %concatenate3A = tpu.concatenate %slice3A, %slice3A_5 in 1 : vector<400x72xf32>, vector<400x56xf32> -> vector<400x128xf32>
    %slice3A_6 = vector.extract_strided_slice %get3A_4 {offsets = [0, 56], sizes = [400, 1], strides = [1, 1]} : vector<400x80xf32> to vector<400x1xf32>
    %max3A = arith.constant 1.000000e+00 : f32
    %max3A_7 = vector.broadcast %max3A : f32 to vector<400x1xf32>
    %max3A_8 = arith.maximumf %slice3A_6, %max3A_7 : vector<400x1xf32>
    %div3A = vector.broadcast %max3A_8 : vector<400x1xf32> to vector<400x128xf32>
    %div3A_9 = arith.divf %concatenate3A, %div3A : vector<400x128xf32>
    %get3A_10 = arith.constant 0 : index
    %get3A_11 = arith.constant 0 : index
    %get3A_12 = vector.load %arg7[%get3A_10, %get3A_11] : memref<128x128xf32, #tpu.memory_space<vmem>>, vector<128x128xf32>
    %dot_general3A = arith.constant dense<0.000000e+00> : vector<400x128xf32>
    %dot_general3A_13 = tpu.matmul %div3A_9, %get3A_12, %dot_general3A {dimension_numbers = #tpu.dot_dimension_numbers<[1], [0], [0], [1], [0, 0, 1, 1], [], []>, precision = #tpu.contract_precision<fp32>, transpose_lhs_hint = false} : vector<400x128xf32>, vector<128x128xf32>, vector<400x128xf32> -> vector<400x128xf32>
    %get3A_14 = arith.constant 0 : index
    %get3A_15 = arith.constant 0 : index
    %get3A_16 = vector.load %arg9[%get3A_14, %get3A_15] : memref<1x128xf32, #tpu.memory_space<vmem>>, vector<1x128xf32>
    %add3A = vector.broadcast %get3A_16 : vector<1x128xf32> to vector<400x128xf32>
    %add3A_17 = arith.addf %dot_general3A_13, %add3A : vector<400x128xf32>
    %get3A_18 = arith.constant 0 : index
    %get3A_19 = arith.constant 0 : index
    %get3A_20 = vector.load %arg5[%get3A_18, %get3A_19] : memref<400x128xf32, #tpu.memory_space<vmem>>, vector<400x128xf32>
    %get3A_21 = arith.constant 0 : index
    %get3A_22 = arith.constant 0 : index
    %get3A_23 = vector.load %arg8[%get3A_21, %get3A_22] : memref<128x128xf32, #tpu.memory_space<vmem>>, vector<128x128xf32>
    %dot_general3A_24 = arith.constant dense<0.000000e+00> : vector<400x128xf32>
    %dot_general3A_25 = tpu.matmul %get3A_20, %get3A_23, %dot_general3A_24 {dimension_numbers = #tpu.dot_dimension_numbers<[1], [0], [0], [1], [0, 0, 1, 1], [], []>, precision = #tpu.contract_precision<fp32>, transpose_lhs_hint = false} : vector<400x128xf32>, vector<128x128xf32>, vector<400x128xf32> -> vector<400x128xf32>
    %add3A_26 = arith.addf %add3A_17, %dot_general3A_25 : vector<400x128xf32>
    %max3A_27 = arith.constant 0.000000e+00 : f32
    %max3A_28 = vector.broadcast %max3A_27 : f32 to vector<400x128xf32>
    %max3A_29 = arith.maximumf %add3A_26, %max3A_28 : vector<400x128xf32>
    %get3A_30 = arith.constant 0 : index
    %get3A_31 = arith.constant 0 : index
    %get3A_32 = vector.load %arg10[%get3A_30, %get3A_31] : memref<128x128xf32, #tpu.memory_space<vmem>>, vector<128x128xf32>
    %dot_general3A_33 = arith.constant dense<0.000000e+00> : vector<400x128xf32>
    %dot_general3A_34 = tpu.matmul %max3A_29, %get3A_32, %dot_general3A_33 {dimension_numbers = #tpu.dot_dimension_numbers<[1], [0], [0], [1], [0, 0, 1, 1], [], []>, precision = #tpu.contract_precision<fp32>, transpose_lhs_hint = false} : vector<400x128xf32>, vector<128x128xf32>, vector<400x128xf32> -> vector<400x128xf32>
    %get3A_35 = arith.constant 0 : index
    %get3A_36 = arith.constant 0 : index
    %get3A_37 = vector.load %arg11[%get3A_35, %get3A_36] : memref<1x128xf32, #tpu.memory_space<vmem>>, vector<1x128xf32>
    %add3A_38 = vector.broadcast %get3A_37 : vector<1x128xf32> to vector<400x128xf32>
    %add3A_39 = arith.addf %dot_general3A_34, %add3A_38 : vector<400x128xf32>
    %max3A_40 = arith.constant 0.000000e+00 : f32
    %max3A_41 = vector.broadcast %max3A_40 : f32 to vector<400x128xf32>
    %max3A_42 = arith.maximumf %add3A_39, %max3A_41 : vector<400x128xf32>
    %broadcast_in_dim3A = arith.constant 0.000000e+00 : f32
    %broadcast_in_dim3A_43 = vector.broadcast %broadcast_in_dim3A : f32 to vector<400x8xf32>
    %slice3A_44 = vector.extract_strided_slice %max3A_42 {offsets = [0, 0], sizes = [400, 72], strides = [1, 1]} : vector<400x128xf32> to vector<400x72xf32>
    %concatenate3A_45 = tpu.concatenate %slice3A_44, %broadcast_in_dim3A_43 in 1 : vector<400x72xf32>, vector<400x8xf32> -> vector<400x80xf32>
    %swap3A = arith.constant 0 : index
    %swap3A_46 = arith.constant 0 : index
    %swap3A_47 = arith.constant 0 : index
    %swap3A_48 = vector.load %arg17[%swap3A, %swap3A_46, %swap3A_47] : memref<2x400x80xf32, #tpu.memory_space<vmem>>, vector<1x400x80xf32>
    %swap3A_49 = vector.shape_cast %swap3A_48 : vector<1x400x80xf32> to vector<400x80xf32>
    %swap3A_50 = vector.shape_cast %concatenate3A_45 : vector<400x80xf32> to vector<1x400x80xf32>
    tpu.vector_store %arg17[%swap3A, %swap3A_46, %swap3A_47], %swap3A_50 {strides = array<i32>} : memref<2x400x80xf32, #tpu.memory_space<vmem>>, vector<1x400x80xf32>,
    %slice3A_51 = vector.extract_strided_slice %max3A_42 {offsets = [0, 72], sizes = [400, 56], strides = [1, 1]} : vector<400x128xf32> to vector<400x56xf32>
    %broadcast_in_dim3A_52 = arith.constant 1.000000e+00 : f32
    %broadcast_in_dim3A_53 = vector.broadcast %broadcast_in_dim3A_52 : f32 to vector<400x16xf32>
    %broadcast_in_dim3A_54 = arith.constant 0.000000e+00 : f32
    %broadcast_in_dim3A_55 = vector.broadcast %broadcast_in_dim3A_54 : f32 to vector<400x8xf32>
    %concatenate3A_56 = tpu.concatenate %slice3A_51, %broadcast_in_dim3A_53, %broadcast_in_dim3A_55 in 1 : vector<400x56xf32>, vector<400x16xf32>, vector<400x8xf32> -> vector<400x80xf32>
    %swap3A_57 = arith.constant 1 : index
    %swap3A_58 = arith.constant 0 : index
    %swap3A_59 = arith.constant 0 : index
    %swap3A_60 = vector.load %arg17[%swap3A_57, %swap3A_58, %swap3A_59] : memref<2x400x80xf32, #tpu.memory_space<vmem>>, vector<1x400x80xf32>
    %swap3A_61 = vector.shape_cast %swap3A_60 : vector<1x400x80xf32> to vector<400x80xf32>
    %swap3A_62 = vector.shape_cast %concatenate3A_56 : vector<400x80xf32> to vector<1x400x80xf32>
    tpu.vector_store %arg17[%swap3A_57, %swap3A_58, %swap3A_59], %swap3A_62 {strides = array<i32>} : memref<2x400x80xf32, #tpu.memory_space<vmem>>, vector<1x400x80xf32>,
    %get3A_63 = arith.constant 0 : index
    %get3A_64 = arith.constant 0 : index
    %get3A_65 = vector.load %arg3[%get3A_63, %get3A_64] : memref<400x80xf32, #tpu.memory_space<vmem>>, vector<400x80xf32>
    %get3A_66 = arith.constant 0 : index
    %get3A_67 = arith.constant 0 : index
    %get3A_68 = vector.load %arg4[%get3A_66, %get3A_67] : memref<400x80xf32, #tpu.memory_space<vmem>>, vector<400x80xf32>
    %slice3A_69 = vector.extract_strided_slice %get3A_65 {offsets = [0, 0], sizes = [400, 72], strides = [1, 1]} : vector<400x80xf32> to vector<400x72xf32>
    %slice3A_70 = vector.extract_strided_slice %get3A_68 {offsets = [0, 0], sizes = [400, 56], strides = [1, 1]} : vector<400x80xf32> to vector<400x56xf32>
    %concatenate3A_71 = tpu.concatenate %slice3A_69, %slice3A_70 in 1 : vector<400x72xf32>, vector<400x56xf32> -> vector<400x128xf32>
    %slice3A_72 = vector.extract_strided_slice %get3A_68 {offsets = [0, 56], sizes = [400, 1], strides = [1, 1]} : vector<400x80xf32> to vector<400x1xf32>
    %max3A_73 = arith.constant 1.000000e+00 : f32
    %max3A_74 = vector.broadcast %max3A_73 : f32 to vector<400x1xf32>
    %max3A_75 = arith.maximumf %slice3A_72, %max3A_74 : vector<400x1xf32>
    %div3A_76 = vector.broadcast %max3A_75 : vector<400x1xf32> to vector<400x128xf32>
    %div3A_77 = arith.divf %concatenate3A_71, %div3A_76 : vector<400x128xf32>
    %get3A_78 = arith.constant 0 : index
    %get3A_79 = arith.constant 0 : index
    %get3A_80 = vector.load %arg12[%get3A_78, %get3A_79] : memref<128x128xf32, #tpu.memory_space<vmem>>, vector<128x128xf32>
    %dot_general3A_81 = arith.constant dense<0.000000e+00> : vector<400x128xf32>
    %dot_general3A_82 = tpu.matmul %div3A_77, %get3A_80, %dot_general3A_81 {dimension_numbers = #tpu.dot_dimension_numbers<[1], [0], [0], [1], [0, 0, 1, 1], [], []>, precision = #tpu.contract_precision<fp32>, transpose_lhs_hint = false} : vector<400x128xf32>, vector<128x128xf32>, vector<400x128xf32> -> vector<400x128xf32>
    %get3A_83 = arith.constant 0 : index
    %get3A_84 = arith.constant 0 : index
    %get3A_85 = vector.load %arg14[%get3A_83, %get3A_84] : memref<1x128xf32, #tpu.memory_space<vmem>>, vector<1x128xf32>
    %add3A_86 = vector.broadcast %get3A_85 : vector<1x128xf32> to vector<400x128xf32>
    %add3A_87 = arith.addf %dot_general3A_82, %add3A_86 : vector<400x128xf32>
    %get3A_88 = arith.constant 0 : index
    %get3A_89 = arith.constant 0 : index
    %get3A_90 = vector.load %arg6[%get3A_88, %get3A_89] : memref<400x128xf32, #tpu.memory_space<vmem>>, vector<400x128xf32>
    %get3A_91 = arith.constant 0 : index
    %get3A_92 = arith.constant 0 : index
    %get3A_93 = vector.load %arg13[%get3A_91, %get3A_92] : memref<128x128xf32, #tpu.memory_space<vmem>>, vector<128x128xf32>
    %dot_general3A_94 = arith.constant dense<0.000000e+00> : vector<400x128xf32>
    %dot_general3A_95 = tpu.matmul %get3A_90, %get3A_93, %dot_general3A_94 {dimension_numbers = #tpu.dot_dimension_numbers<[1], [0], [0], [1], [0, 0, 1, 1], [], []>, precision = #tpu.contract_precision<fp32>, transpose_lhs_hint = false} : vector<400x128xf32>, vector<128x128xf32>, vector<400x128xf32> -> vector<400x128xf32>
    %add3A_96 = arith.addf %add3A_87, %dot_general3A_95 : vector<400x128xf32>
    %max3A_97 = arith.constant 0.000000e+00 : f32
    %max3A_98 = vector.broadcast %max3A_97 : f32 to vector<400x128xf32>
    %max3A_99 = arith.maximumf %add3A_96, %max3A_98 : vector<400x128xf32>
    %get3A_100 = arith.constant 0 : index
    %get3A_101 = arith.constant 0 : index
    %get3A_102 = vector.load %arg15[%get3A_100, %get3A_101] : memref<128x128xf32, #tpu.memory_space<vmem>>, vector<128x128xf32>
    %dot_general3A_103 = arith.constant dense<0.000000e+00> : vector<400x128xf32>
    %dot_general3A_104 = tpu.matmul %max3A_99, %get3A_102, %dot_general3A_103 {dimension_numbers = #tpu.dot_dimension_numbers<[1], [0], [0], [1], [0, 0, 1, 1], [], []>, precision = #tpu.contract_precision<fp32>, transpose_lhs_hint = false} : vector<400x128xf32>, vector<128x128xf32>, vector<400x128xf32> -> vector<400x128xf32>
    %get3A_105 = arith.constant 0 : index
    %get3A_106 = arith.constant 0 : index
    %get3A_107 = vector.load %arg16[%get3A_105, %get3A_106] : memref<1x128xf32, #tpu.memory_space<vmem>>, vector<1x128xf32>
    %add3A_108 = vector.broadcast %get3A_107 : vector<1x128xf32> to vector<400x128xf32>
    %add3A_109 = arith.addf %dot_general3A_104, %add3A_108 : vector<400x128xf32>
    %max3A_110 = arith.constant 0.000000e+00 : f32
    %max3A_111 = vector.broadcast %max3A_110 : f32 to vector<400x128xf32>
    %max3A_112 = arith.maximumf %add3A_109, %max3A_111 : vector<400x128xf32>
    %swap3A_113 = arith.constant 0 : index
    %swap3A_114 = arith.constant 0 : index
    %swap3A_115 = vector.load %arg18[%swap3A_113, %swap3A_114] : memref<400x128xf32, #tpu.memory_space<vmem>>, vector<400x128xf32>
    tpu.vector_store %arg18[%swap3A_113, %swap3A_114], %max3A_112 {strides = array<i32>} : memref<400x128xf32, #tpu.memory_space<vmem>>, vector<400x128xf32>,
    return
  }
  func.func @transform_0(%arg0: i32) -> (i32, i32) {
    %c0_i32 = arith.constant 0 : i32
    %c0_i32_0 = arith.constant 0 : i32
    return %arg0, %c0_i32 : i32, i32
  }
  func.func @transform_1(%arg0: i32) -> (i32, i32) {
    %c0_i32 = arith.constant 0 : i32
    %c0_i32_0 = arith.constant 0 : i32
    return %arg0, %c0_i32 : i32, i32
  }
  func.func @transform_2(%arg0: i32) -> (i32, i32) {
    %c0_i32 = arith.constant 0 : i32
    %c0_i32_0 = arith.constant 0 : i32
    return %arg0, %c0_i32 : i32, i32
  }
  func.func @transform_3(%arg0: i32) -> (i32, i32) {
    %c0_i32 = arith.constant 0 : i32
    %c0_i32_0 = arith.constant 0 : i32
    return %arg0, %c0_i32 : i32, i32
  }
  func.func @transform_4(%arg0: i32) -> (i32, i32) {
    %c0_i32 = arith.constant 0 : i32
    %c0_i32_0 = arith.constant 0 : i32
    return %arg0, %c0_i32 : i32, i32
  }
  func.func @transform_5(%arg0: i32) -> (i32, i32) {
    %c0_i32 = arith.constant 0 : i32
    %c0_i32_0 = arith.constant 0 : i32
    return %arg0, %c0_i32 : i32, i32
  }
  func.func @transform_6(%arg0: i32) -> (i32, i32) {
    %c0_i32 = arith.constant 0 : i32
    %c0_i32_0 = arith.constant 0 : i32
    %c0_i32_1 = arith.constant 0 : i32
    return %c0_i32, %c0_i32_0 : i32, i32
  }
  func.func @transform_7(%arg0: i32) -> (i32, i32) {
    %c0_i32 = arith.constant 0 : i32
    %c0_i32_0 = arith.constant 0 : i32
    %c0_i32_1 = arith.constant 0 : i32
    return %c0_i32, %c0_i32_0 : i32, i32
  }
  func.func @transform_8(%arg0: i32) -> (i32, i32) {
    %c0_i32 = arith.constant 0 : i32
    %c0_i32_0 = arith.constant 0 : i32
    %c0_i32_1 = arith.constant 0 : i32
    return %c0_i32, %c0_i32_0 : i32, i32
  }
  func.func @transform_9(%arg0: i32) -> (i32, i32) {
    %c0_i32 = arith.constant 0 : i32
    %c0_i32_0 = arith.constant 0 : i32
    %c0_i32_1 = arith.constant 0 : i32
    return %c0_i32, %c0_i32_0 : i32, i32
  }
  func.func @transform_10(%arg0: i32) -> (i32, i32) {
    %c0_i32 = arith.constant 0 : i32
    %c0_i32_0 = arith.constant 0 : i32
    %c0_i32_1 = arith.constant 0 : i32
    return %c0_i32, %c0_i32_0 : i32, i32
  }
  func.func @transform_11(%arg0: i32) -> (i32, i32) {
    %c0_i32 = arith.constant 0 : i32
    %c0_i32_0 = arith.constant 0 : i32
    %c0_i32_1 = arith.constant 0 : i32
    return %c0_i32, %c0_i32_0 : i32, i32
  }
  func.func @transform_12(%arg0: i32) -> (i32, i32) {
    %c0_i32 = arith.constant 0 : i32
    %c0_i32_0 = arith.constant 0 : i32
    %c0_i32_1 = arith.constant 0 : i32
    return %c0_i32, %c0_i32_0 : i32, i32
  }
  func.func @transform_13(%arg0: i32) -> (i32, i32) {
    %c0_i32 = arith.constant 0 : i32
    %c0_i32_0 = arith.constant 0 : i32
    %c0_i32_1 = arith.constant 0 : i32
    return %c0_i32, %c0_i32_0 : i32, i32
  }
  func.func @transform_14(%arg0: i32) -> (i32, i32) {
    %c0_i32 = arith.constant 0 : i32
    %c0_i32_0 = arith.constant 0 : i32
    %c0_i32_1 = arith.constant 0 : i32
    return %c0_i32, %c0_i32_0 : i32, i32
  }
  func.func @transform_15(%arg0: i32) -> (i32, i32) {
    %c0_i32 = arith.constant 0 : i32
    %c0_i32_0 = arith.constant 0 : i32
    %c0_i32_1 = arith.constant 0 : i32
    return %c0_i32, %c0_i32_0 : i32, i32
  }
  func.func @transform_16(%arg0: i32) -> (i32, i32, i32) {
    %c0_i32 = arith.constant 0 : i32
    %c0_i32_0 = arith.constant 0 : i32
    %c0_i32_1 = arith.constant 0 : i32
    return %c0_i32, %arg0, %c0_i32_0 : i32, i32, i32
  }
  func.func @transform_17(%arg0: i32) -> (i32, i32) {
    %c0_i32 = arith.constant 0 : i32
    %c0_i32_0 = arith.constant 0 : i32
    return %arg0, %c0_i32 : i32, i32
  }
}

module attributes {stable_mosaic.version = 14 : i64} {
  func.func @_dense2_body(%arg0: i32, %arg1: memref<400x80xf32, #tpu.memory_space<vmem>>, %arg2: memref<400x80xf32, #tpu.memory_space<vmem>>, %arg3: memref<400x128xf32, #tpu.memory_space<vmem>>, %arg4: memref<128x128xf32, #tpu.memory_space<vmem>>, %arg5: memref<128x128xf32, #tpu.memory_space<vmem>>, %arg6: memref<1x128xf32, #tpu.memory_space<vmem>>, %arg7: memref<128x64xf32, #tpu.memory_space<vmem>>, %arg8: memref<1x64xf32, #tpu.memory_space<vmem>>, %arg9: memref<400x64xf32, #tpu.memory_space<vmem>>) attributes {dimension_semantics = [#tpu.dimension_semantics<arbitrary>], iteration_bounds = array<i64: 25>, scalar_prefetch = 0 : i64, scratch_operands = 0 : i64, tpu.core_type = #tpu.core_type<tc>, window_params = [{transform_indices = @transform_0, window_bounds = array<i64: 400, 80>}, {transform_indices = @transform_1, window_bounds = array<i64: 400, 80>}, {transform_indices = @transform_2, window_bounds = array<i64: 400, 128>}, {pipeline_mode = #tpu.pipeline_mode<synchronous>, transform_indices = @transform_3, window_bounds = array<i64: 128, 128>}, {pipeline_mode = #tpu.pipeline_mode<synchronous>, transform_indices = @transform_4, window_bounds = array<i64: 128, 128>}, {pipeline_mode = #tpu.pipeline_mode<synchronous>, transform_indices = @transform_5, window_bounds = array<i64: 1, 128>}, {pipeline_mode = #tpu.pipeline_mode<synchronous>, transform_indices = @transform_6, window_bounds = array<i64: 128, 64>}, {pipeline_mode = #tpu.pipeline_mode<synchronous>, transform_indices = @transform_7, window_bounds = array<i64: 1, 64>}, {transform_indices = @transform_8, window_bounds = array<i64: 400, 64>}]} {
    %get3A = arith.constant 0 : index
    %get3A_0 = arith.constant 0 : index
    %get3A_1 = vector.load %arg1[%get3A, %get3A_0] : memref<400x80xf32, #tpu.memory_space<vmem>>, vector<400x80xf32>
    %get3A_2 = arith.constant 0 : index
    %get3A_3 = arith.constant 0 : index
    %get3A_4 = vector.load %arg2[%get3A_2, %get3A_3] : memref<400x80xf32, #tpu.memory_space<vmem>>, vector<400x80xf32>
    %slice3A = vector.extract_strided_slice %get3A_1 {offsets = [0, 0], sizes = [400, 72], strides = [1, 1]} : vector<400x80xf32> to vector<400x72xf32>
    %slice3A_5 = vector.extract_strided_slice %get3A_4 {offsets = [0, 0], sizes = [400, 56], strides = [1, 1]} : vector<400x80xf32> to vector<400x56xf32>
    %concatenate3A = tpu.concatenate %slice3A, %slice3A_5 in 1 : vector<400x72xf32>, vector<400x56xf32> -> vector<400x128xf32>
    %slice3A_6 = vector.extract_strided_slice %get3A_4 {offsets = [0, 56], sizes = [400, 1], strides = [1, 1]} : vector<400x80xf32> to vector<400x1xf32>
    %max3A = arith.constant 1.000000e+00 : f32
    %max3A_7 = vector.broadcast %max3A : f32 to vector<400x1xf32>
    %max3A_8 = arith.maximumf %slice3A_6, %max3A_7 : vector<400x1xf32>
    %div3A = vector.broadcast %max3A_8 : vector<400x1xf32> to vector<400x128xf32>
    %div3A_9 = arith.divf %concatenate3A, %div3A : vector<400x128xf32>
    %get3A_10 = arith.constant 0 : index
    %get3A_11 = arith.constant 0 : index
    %get3A_12 = vector.load %arg4[%get3A_10, %get3A_11] : memref<128x128xf32, #tpu.memory_space<vmem>>, vector<128x128xf32>
    %dot_general3A = arith.constant dense<0.000000e+00> : vector<400x128xf32>
    %dot_general3A_13 = tpu.matmul %div3A_9, %get3A_12, %dot_general3A {dimension_numbers = #tpu.dot_dimension_numbers<[1], [0], [0], [1], [0, 0, 1, 1], [], []>, precision = #tpu.contract_precision<fp32>, transpose_lhs_hint = false} : vector<400x128xf32>, vector<128x128xf32>, vector<400x128xf32> -> vector<400x128xf32>
    %get3A_14 = arith.constant 0 : index
    %get3A_15 = arith.constant 0 : index
    %get3A_16 = vector.load %arg6[%get3A_14, %get3A_15] : memref<1x128xf32, #tpu.memory_space<vmem>>, vector<1x128xf32>
    %add3A = vector.broadcast %get3A_16 : vector<1x128xf32> to vector<400x128xf32>
    %add3A_17 = arith.addf %dot_general3A_13, %add3A : vector<400x128xf32>
    %get3A_18 = arith.constant 0 : index
    %get3A_19 = arith.constant 0 : index
    %get3A_20 = vector.load %arg3[%get3A_18, %get3A_19] : memref<400x128xf32, #tpu.memory_space<vmem>>, vector<400x128xf32>
    %get3A_21 = arith.constant 0 : index
    %get3A_22 = arith.constant 0 : index
    %get3A_23 = vector.load %arg5[%get3A_21, %get3A_22] : memref<128x128xf32, #tpu.memory_space<vmem>>, vector<128x128xf32>
    %dot_general3A_24 = arith.constant dense<0.000000e+00> : vector<400x128xf32>
    %dot_general3A_25 = tpu.matmul %get3A_20, %get3A_23, %dot_general3A_24 {dimension_numbers = #tpu.dot_dimension_numbers<[1], [0], [0], [1], [0, 0, 1, 1], [], []>, precision = #tpu.contract_precision<fp32>, transpose_lhs_hint = false} : vector<400x128xf32>, vector<128x128xf32>, vector<400x128xf32> -> vector<400x128xf32>
    %add3A_26 = arith.addf %add3A_17, %dot_general3A_25 : vector<400x128xf32>
    %max3A_27 = arith.constant 0.000000e+00 : f32
    %max3A_28 = vector.broadcast %max3A_27 : f32 to vector<400x128xf32>
    %max3A_29 = arith.maximumf %add3A_26, %max3A_28 : vector<400x128xf32>
    %get3A_30 = arith.constant 0 : index
    %get3A_31 = arith.constant 0 : index
    %get3A_32 = vector.load %arg7[%get3A_30, %get3A_31] : memref<128x64xf32, #tpu.memory_space<vmem>>, vector<128x64xf32>
    %dot_general3A_33 = arith.constant dense<0.000000e+00> : vector<400x64xf32>
    %dot_general3A_34 = tpu.matmul %max3A_29, %get3A_32, %dot_general3A_33 {dimension_numbers = #tpu.dot_dimension_numbers<[1], [0], [0], [1], [0, 0, 1, 1], [], []>, precision = #tpu.contract_precision<fp32>, transpose_lhs_hint = false} : vector<400x128xf32>, vector<128x64xf32>, vector<400x64xf32> -> vector<400x64xf32>
    %get3A_35 = arith.constant 0 : index
    %get3A_36 = arith.constant 0 : index
    %get3A_37 = vector.load %arg8[%get3A_35, %get3A_36] : memref<1x64xf32, #tpu.memory_space<vmem>>, vector<1x64xf32>
    %add3A_38 = vector.broadcast %get3A_37 : vector<1x64xf32> to vector<400x64xf32>
    %add3A_39 = arith.addf %dot_general3A_34, %add3A_38 : vector<400x64xf32>
    %swap3A = arith.constant 0 : index
    %swap3A_40 = arith.constant 0 : index
    %swap3A_41 = vector.load %arg9[%swap3A, %swap3A_40] : memref<400x64xf32, #tpu.memory_space<vmem>>, vector<400x64xf32>
    tpu.vector_store %arg9[%swap3A, %swap3A_40], %add3A_39 {strides = array<i32>} : memref<400x64xf32, #tpu.memory_space<vmem>>, vector<400x64xf32>,
    return
  }
  func.func @transform_0(%arg0: i32) -> (i32, i32) {
    %c0_i32 = arith.constant 0 : i32
    %c0_i32_0 = arith.constant 0 : i32
    return %arg0, %c0_i32 : i32, i32
  }
  func.func @transform_1(%arg0: i32) -> (i32, i32) {
    %c0_i32 = arith.constant 0 : i32
    %c0_i32_0 = arith.constant 0 : i32
    return %arg0, %c0_i32 : i32, i32
  }
  func.func @transform_2(%arg0: i32) -> (i32, i32) {
    %c0_i32 = arith.constant 0 : i32
    %c0_i32_0 = arith.constant 0 : i32
    return %arg0, %c0_i32 : i32, i32
  }
  func.func @transform_3(%arg0: i32) -> (i32, i32) {
    %c0_i32 = arith.constant 0 : i32
    %c0_i32_0 = arith.constant 0 : i32
    %c0_i32_1 = arith.constant 0 : i32
    return %c0_i32, %c0_i32_0 : i32, i32
  }
  func.func @transform_4(%arg0: i32) -> (i32, i32) {
    %c0_i32 = arith.constant 0 : i32
    %c0_i32_0 = arith.constant 0 : i32
    %c0_i32_1 = arith.constant 0 : i32
    return %c0_i32, %c0_i32_0 : i32, i32
  }
  func.func @transform_5(%arg0: i32) -> (i32, i32) {
    %c0_i32 = arith.constant 0 : i32
    %c0_i32_0 = arith.constant 0 : i32
    %c0_i32_1 = arith.constant 0 : i32
    return %c0_i32, %c0_i32_0 : i32, i32
  }
  func.func @transform_6(%arg0: i32) -> (i32, i32) {
    %c0_i32 = arith.constant 0 : i32
    %c0_i32_0 = arith.constant 0 : i32
    %c0_i32_1 = arith.constant 0 : i32
    return %c0_i32, %c0_i32_0 : i32, i32
  }
  func.func @transform_7(%arg0: i32) -> (i32, i32) {
    %c0_i32 = arith.constant 0 : i32
    %c0_i32_0 = arith.constant 0 : i32
    %c0_i32_1 = arith.constant 0 : i32
    return %c0_i32, %c0_i32_0 : i32, i32
  }
  func.func @transform_8(%arg0: i32) -> (i32, i32) {
    %c0_i32 = arith.constant 0 : i32
    %c0_i32_0 = arith.constant 0 : i32
    return %arg0, %c0_i32 : i32, i32
  }
}

</mosaic_0001>

<sc_bundles>
// kernel: kernel.10.cloned.1.call-start
scs
__scs_entry_jumppad:
0x0: {  	(pc) =	sbr.rel $0x88, $3  }
0x1: {  	(tag) =	ssettag $0x0;
	lr =	simm.s32 $0x1  }
0x2: {  	[smem:$0x3F8E] =	sst lr;
	_ =	strace $0xD0000000  }
0x3: {  	_ = 	snop  }
0x4: {  	_ = 	snop  }
0x5: {  	_ = 	snop  }
0x6: {  	_ = 	snop  }
0x7: {  	_ = 	snop  }
__scs_overlays_trampoline_lowered:
0x8: {  	[smem:$0x3F9D] =	sst s0  }
0x9: {  	[smem:$0x3F9E] =	sst s1  }
0xa: {  	[smem:$0x3F9F] =	sst s2  }
0xb: {  	[smem:$0x3FA0] =	sst s3  }
0xc: {  	[smem:$0x3FA1] =	sst s4  }
0xd: {  	[smem:$0x3FA2] =	sst s5  }
0xe: {  	[smem:$0x3FA3] =	sst s6  }
0xf: {  	[smem:$0x3FA4] =	sst s7  }
0x10: {  	[smem:$0x3FA5] =	sst s8  }
0x11: {  	[smem:$0x3FA6] =	sst s9;
	s0 =	simm.s32 @!p0 $0x0  }
0x12: {  	s1 =	sld [smem:$0x3F8C];
	s0 =	simm.s32 @p0 $0x1  }
0x13: {  	[smem:$0x3FA7] =	sst s0;
	s0 =	simm.s32 @!p1 $0x0  }
0x14: {  	s2 =	sld [smem:$0x3F8B];
	s0 =	simm.s32 @p1 $0x1  }
0x15: {  	[smem:$0x3FA8] =	sst s0;
	s0 =	simm.s32 @!p2 $0x0  }
0x16: {  	s3 =	sld [smem:$0x3FDB];
	s0 =	simm.s32 @p2 $0x1  }
0x17: {  	s4 =	simm.s32 $0x1BF5;
	[smem:$0x3FAA] =	sst s0  }
0x18: {  	s0 =	sld [smem:$0x3F8D];
	_ =	swait.ge [sflag:s4], $0x0  }
0x19: {  	s7 =	sld [smem:$0x3F8E]  }
0x1a: {  	s8 =	sadd.s32 $0xFFFFE003, lr  }
0x1b: {  	s9 =	sadd.s32 $0xFFFFFEF7, lr;
	s5 =	simm.s32 $0xFFFFFFFF;
	p2 =	slt.u32 s8, $0xFFFFF086  }
0x1c: {  	p1 =	slt.u32 s9, $0xF7A;
	s5 =	simm.s32 @!p2 $0x0  }
0x1d: {  	s5 =	simm.s32 @p1 $0x1;
	p0 =	seq.s32 s7, s2  }
0x1e: {  	s7 =	smul.u32 @!p0 $0xF7A, s2;
	p2 =	seq.s32 @!p0 s5, $0x0  }
0x1f: {  	s9 =	smul.u32 $0xF7A, s1;
	s8 =	simm.s32 @!p0 $0x1BF5;
	p2 =	por !p2, p0  }
0x20: {  	[sflag:s8] =	ssyncset.s32 @!p0 $0xFFFFF086;
	s6 =	sadd.s32 @!p0 s3, s7;
	s7 =	simm.s32 @!p0 $0x108  }
0x21: {  	s3 =	sadd.s32 s3, s9;
	s6 =	sadd.s32 @!p0 $0x88, s6;
	s7 =	simm.s32 @p2 $0x1082  }
0x22: {  	[simem:s7], [sflag:s8] =	dma.local @!p0 [hbm:s6], $0xF7A  }
0x23: {  	s9 =	sor.u32 $0xD0000000, s2;
	s6 =	simm.s32 $0x108;
	_ =	swait.ge @!p0 [sflag:s8], $0x0  }
0x24: {  	s3 =	sadd.s32 $0x88, s3;
	s6 =	simm.s32 @!p1 $0x1082;
	[sflag:s4] =	ssyncset.s32 $0xFFFFF086  }
0x25: {  	[simem:s6], [sflag:s4] =	dma.local [hbm:s3], $0xF7A  }
0x26: {  	[smem:$0x3F8E] =	sst s1;
	(tag) =	ssettag s2;
	_ =	strace s9  }
0x27: {  	s1 =	sld [smem:$0x3F9E]  }
0x28: {  	s2 =	sld [smem:$0x3F9F]  }
0x29: {  	s4 =	sld [smem:$0x3FA1]  }
0x2a: {  	p0 =	seq.s32 s5, $0x0;
	s5 =	sld [smem:$0x3FA2]  }
0x2b: {  	s6 =	sld [smem:$0x3FA3]  }
0x2c: {  	s7 =	sld [smem:$0x3FA4]  }
0x2d: {  	s3 =	simm.s32 $0x108;
	s8 =	sld [smem:$0x3FA5]  }
0x2e: {  	s3 =	simm.s32 @!p0 $0x1082;
	s9 =	sld [smem:$0x3FA6]  }
0x2f: {  	lr =	sadd.s32 s0, s3;
	s0 =	sld [smem:$0x3F9D]  }
0x30: {  	s3 =	sld [smem:$0x3FA0]  }
0x31: {  	[smem:$0x3FA9] =	sst s10  }
0x32: {  	s10 =	sld [smem:$0x3FA7];
	_ =	sdelay $0x3  }
0x33: {  	p0 =	seq.s32 s10, $0x1;
	s10 =	sld [smem:$0x3FA9];
	_ =	sdelay $0x3  }
0x34: {  	[smem:$0x3FA9] =	sst s10  }
0x35: {  	s10 =	sld [smem:$0x3FA8];
	_ =	sdelay $0x3  }
0x36: {  	p1 =	seq.s32 s10, $0x1;
	s10 =	sld [smem:$0x3FA9];
	_ =	sdelay $0x3  }
0x37: {  	[smem:$0x3FA9] =	sst s10  }
0x38: {  	s10 =	sld [smem:$0x3FAA]  }
0x39: {  	_ = 	snop;
	(pc) =	sbr.ind lr, $3  }
0x3a: {  	_ = 	snop  }
0x3b: {  	_ = 	snop  }
0x3c: {  	p2 =	seq.s32 s10, $0x1;
	s10 =	sld [smem:$0x3FA9]  }
0x3d: {  	_ =	shalt  }
0x3e: {  	_ =	shalt  }
0x3f: {  	_ =	shalt  }
0x40: {  	_ =	shalt  }
0x41: {  	_ =	shalt  }
0x42: {  	_ =	shalt  }
0x43: {  	_ =	shalt  }
0x44: {  	_ =	shalt  }
0x45: {  	_ =	shalt  }
0x46: {  	_ =	shalt  }
0x47: {  	_ =	shalt  }
0x48: {  	_ =	shalt  }
0x49: {  	_ =	shalt  }
0x4a: {  	_ =	shalt  }
0x4b: {  	_ =	shalt  }
0x4c: {  	_ =	shalt  }
0x4d: {  	_ =	shalt  }
0x4e: {  	_ =	shalt  }
0x4f: {  	_ =	shalt  }
0x50: {  	_ =	shalt  }
0x51: {  	_ =	shalt  }
0x52: {  	_ =	shalt  }
0x53: {  	_ =	shalt  }
0x54: {  	_ =	shalt  }
0x55: {  	_ =	shalt  }
0x56: {  	_ =	shalt  }
0x57: {  	_ =	shalt  }
0x58: {  	_ =	shalt  }
0x59: {  	_ =	shalt  }
0x5a: {  	_ =	shalt  }
0x5b: {  	_ =	shalt  }
0x5c: {  	_ =	shalt  }
0x5d: {  	_ =	shalt  }
0x5e: {  	_ =	shalt  }
0x5f: {  	_ =	shalt  }
0x60: {  	_ =	shalt  }
0x61: {  	_ =	shalt  }
0x62: {  	_ =	shalt  }
0x63: {  	_ =	shalt  }
0x64: {  	_ =	shalt  }
0x65: {  	_ =	shalt  }
0x66: {  	_ =	shalt  }
0x67: {  	_ =	shalt  }
0x68: {  	_ =	shalt  }
0x69: {  	_ =	shalt  }
0x6a: {  	_ =	shalt  }
0x6b: {  	_ =	shalt  }
0x6c: {  	_ =	shalt  }
0x6d: {  	_ =	shalt  }
0x6e: {  	_ =	shalt  }
0x6f: {  	_ =	shalt  }
0x70: {  	_ =	shalt  }
0x71: {  	_ =	shalt  }
0x72: {  	_ =	shalt  }
0x73: {  	_ =	shalt  }
0x74: {  	_ =	shalt  }
0x75: {  	_ =	shalt  }
0x76: {  	_ =	shalt  }
0x77: {  	_ =	shalt  }
0x78: {  	_ =	shalt  }
0x79: {  	_ =	shalt  }
0x7a: {  	_ =	shalt  }
0x7b: {  	_ =	shalt  }
0x7c: {  	_ =	shalt  }
0x7d: {  	_ =	shalt  }
0x7e: {  	_ =	shalt  }
0x7f: {  	_ =	shalt  }
0x80: {  	_ =	shalt  }
0x81: {  	_ =	shalt  }
0x82: {  	_ =	shalt  }
0x83: {  	_ =	shalt  }
0x84: {  	_ =	shalt  }
0x85: {  	_ =	shalt  }
0x86: {  	_ =	shalt  }
0x87: {  	_ =	shalt  }
.Lfunc_end0:
.L_simem_size_0:
called_computation.1_lowered:
.L_overlay_start_0:
0x88: {  	s2 =	sld [smem:$0x3FD9]  }
0x89: {  	s3 =	sld [smem:$0x3FFE];
	_ =	sdelay $0x1  }
0x8a: {  	s1 =	srdreg.scid  }
0x8b: {  	s0 =	sand.u32 $0x1, s1  }
0x8c: {  	s16 =	sshll.u32 s0, $0xA;
	s2 =	sadd.s32 s3, s2  }
0x8d: {  	s2 =	sadd.s32 s2, s16  }
0x8e: {  	[smem:$0x3FB5] =	sst s2  }
0x8f: {  	_ = 	snop  }
0x90: {  	(tm) =	ssettm $0x1  }
0x91: {  	s17 =	sld [smem:$0x3FFB];
	_ =	sdelay $0x3  }
0x92: {  	_ =	strace s17  }
0x93: {  	s2 =	sld [smem:$0x3FFC];
	_ =	sdelay $0x3  }
0x94: {  	_ =	strace s2  }
0x95: {  	s2 =	sld [smem:$0x3FFD];
	_ =	sdelay $0x3  }
0x96: {  	_ =	strace s2  }
0x97: {  	_ =	strace $0x8FFFFFFF  }
0x98: {  	s18 =	sld [smem:$0x3FDB];
	_ =	sdelay $0x1  }
0x99: {  	s19 =	simm.s32 $_scs_section_size  }
0x9a: {  	s4 =	simm.s32 $_size__tile_overlayer_lowered;
	s5 =	simm.s32 $_tile_overlayer_lowered  }
0x9b: {  	s22 =	simm.s32 $0x1BFF;
	s21 =	sshll.u32 s5, $0x1;
	s2 =	sadd.s32 s19, s18  }
0x9c: {  	s6 =	simm.s32 $0x0;
	s20 =	sshll.u32 s4, $0x1;
	s4 =	sadd.s32 s21, s2  }
0x9d: {  	[timem:s6], [sflag:s22] =	dma.local [hbm:s4], s20  }
0x9e: {  	_ =	swait.ge [sflag:s22], s20  }
0x9f: {  	s3 =	ssub.s32 $0x0, s20;
	[sflag:s22] =	ssyncset.done $0x0  }
0xa0: {  	[sflag:s22] =	ssyncadd.s32 s3;
	_ =	sdelay $0x1  }
0xa1: {  	s23 =	simm.s32 $0x1B8B  }
0xa2: {  	_ =	swait.ge [sflag:s23], $0x1  }
0xa3: {  	[sflag:s23] =	ssyncset.done $0x0  }
0xa4: {  	s25 =	simm.s32 $0x1B8E;
	s24 =	sld [smem:$0x3FFE];
	[sflag:s23] =	ssyncadd.s32 $0xFFFFFFFF  }
0xa5: {  	s26 =	simm.s32 $execute0_lowered;
	[smem:$0x3FD2] =	sst s25  }
0xa6: {  	s4 =	sshll.u32 s26, $0x1;
	_ =	strace $0x80000046;
	[dreg:$0x1] =	wrdreg $0xFFFFFFFF  }
0xa7: {  	s28 =	simm.s32 $_size_execute0_lowered;
	s2 =	sadd.s32 s2, s4;
	[dreg:$0x0] =	wrdreg $0x0  }
0xa8: {  	s4 =	sshll.u32 s28, $0x1;
	[dreg:$0x2] =	wrdreg s2  }
0xa9: {  	[dreg:$0x3] =	wrdreg s4  }
0xaa: {  	[dreg:$0x4] =	wrdreg $0xC0  }
0xab: {  	_ =	task [dreg:s6], $0x5FFFF  }
0xac: {  	[dreg:$0x1] =	wrdreg $0xFFFFFFFF  }
0xad: {  	[dreg:$0x0] =	wrdreg $0x60  }
0xae: {  	[dreg:$0x2] =	wrdreg s24  }
0xaf: {  	[dreg:$0x3] =	wrdreg $0xEE000  }
0xb0: {  	[dreg:$0x4] =	wrdreg $0xA  }
0xb1: {  	_ =	task.clear_ibuf [dreg:s6], $0x5FFFF;
	_ =	strace $0x90000046  }
0xb2: {  	s29 =	simm.s32 $0xA;
	_ =	strace $0x80000048  }
0xb3: {  	_ =	swait.ge [sflag:s29], $0x1  }
0xb4: {  	[sflag:s29] =	ssyncadd.s32 $0xFFFFFFFF  }
0xb5: {  	_ =	strace $0x90000048  }
0xb6: {  	_ =	sfence  }
0xb7: {  	s30 =	sld [smem:$0x0];
	_ =	sdelay $0x2  }
0xb8: {  	s31 =	sshll.u32 s1, $0xD;
	s1 =	sshrl.u32 s1, $0x2  }
0xb9: {  	s3 =	sand.u32 $0x4000, s31;
	s1 =	sadd.s32 s1, s30  }
0xba: {  	s0 =	sor.u32 s3, s0;
	s1 =	sshll.u32 s1, $0x11  }
0xbb: {  	s0 =	sor.u32 s1, s0  }
0xbc: {  	s0 =	sadd.s32 $0x8F2B, s0  }
0xbd: {  	[sflag:s0] =	ssyncadd.remote.s32 $0x1  }
0xbe: {  	_ =	sfence.sel $0xFFFF  }
0xbf: {  	[dreg:$0x0] =	wrdreg $0xFFFFFFFF;
	(pc) =	sbr.abs _section_cstart, $3  }
0xc0: {  	[dreg:$0x1] =	wrdreg $0xFFFFFFFF  }
0xc1: {  	_ =	task.clear_ibuf [dreg:s6], $0x2FFFF;
	_ =	strace $0x9FFFFFFF  }
0xc2: {  	(tm) =	ssettm $0x7FFFFFFF  }
0xc3: {  	_ =	shalt  }
tec
execute0_lowered:
.L_overlay_start_1:
0x0: {  	(tag) =	ssettag $0x1  }
0x1: {  	s4 =	rddreg [dreg:$0x0]  }
0x2: {  	s2 =	rddreg [dreg:$0x1]  }
0x3: {  	s0 =	srdreg.scid;
	s1 =	rddreg [dreg:$0x2];
	s3 =	simm.s32 $0x0  }
0x4: {  	s14 =	simm.s32 $0x80;
	s15 =	simm.s32 $0x9E00;
	s16 =	simm.s32 $0x1  }
0x5: {  	s17 =	simm.s32 $0xC600;
	s18 =	simm.s32 $0x2;
	s5 =	sand.u32 $0x1, s0  }
0x6: {  	s19 =	simm.s32 $0x4E80;
	s0 =	stileid.u32;
	s6 =	smul.u32 $0x186A0, s5  }
0x7: {  	s20 =	simm.s32 $0x9D00;
	s21 =	simm.s32 $0x9D80;
	s7 =	smul.u32 $0x9E0, s0  }
0x8: {  	s22 =	simm.s32 $0x0;
	[smem:$0x7FF] =	sst s3;
	s8 =	smul.u32 $0xC800, s0  }
0x9: {  	s9 =	smul.u32 $0xC8000, s5;
	_ =	strace $0x80000047;
	s5 =	ssub.s32 $0x2, s5  }
0xa: {  	s31 =	sshll.u32 s0, $0x6;
	s11 =	sshrl.u32 s5, $0x1;
	s10 =	sadd.s32 s6, s4  }
0xb: {  	s7 =	sadd.s32 s7, s4;
	s29 =	sadd.s32 s8, s9;
	s30 =	sshrl.u32 s8, $0x3  }
0xc: {  	s11 =	ssub.s32 s5, s11;
	s13 =	sadd.s32 s8, s2;
	s5 =	sor.u32 $0x1C03, s31  }
0xd: {  	s6 =	sshrl.u32 s29, $0x3;
	s9 =	sadd.s32 s30, s4;
	s8 =	sadd.s32 $0x2A00, s10  }
0xe: {  	s10 =	smax.u32 s11, $0x1;
	s11 =	sshrl.u32 s13, $0x3;
	s13 =	simm.s32 $0x4F00  }
0xf: {  	s12 =	sadd.s32 s6, s4;
	s4 =	sadd.s32 $0x47400, s9;
	s6 =	sadd.s32 $0x33800, s7  }
0x10: {  	s7 =	sadd.s32 $0x3D600, s7;
	s9 =	sadd.s32 $0x60400, s12;
	s12 =	simm.s32 $0x3  }
.LBB2_1:
0x11: {  	[spmem:s11], [sflag:s5] =	dma.local [hbm:s4], $0x1900  }
0x12: {  	_ =	swait.ge [sflag:s12], $0x1900  }
0x13: {  	[sflag:s12] =	ssyncset.done $0x0  }
0x14: {  	[sflag:s12] =	ssyncadd.s32 $0xFFFFE700  }
0x15: {  	[tilespmem:s3], [sflag:$0x3] =	stream.linear.gather [hbm4b:s6+s3], $0x4F00, $0x38;
	[tilespmem:$0x1B600] =	vst v63  }
0x16: {  	_ =	swait.ge [sflag:s12], $0x4F00  }
0x17: {  	[sflag:s12] =	ssyncset.done $0x0  }
0x18: {  	[sflag:s12] =	ssyncadd.s32 $0xFFFFB100  }
0x19: {  	[tilespmem:s13], [sflag:$0x3] =	stream.linear.gather [hbm4b:s7+s3], $0x4F00, $0x38;
	[tilespmem:$0x1B600] =	vst v63  }
0x1a: {  	_ =	swait.ge [sflag:s12], $0x4F00  }
0x1b: {  	[sflag:s12] =	ssyncset.done $0x0  }
0x1c: {  	[sflag:s12] =	ssyncadd.s32 $0xFFFFB100  }
0x1d: {  	[bflag:$0x0] =	sbarrier.arrive $0xFFFF  }
0x1e: {  	[tilespmem:s15], [sflag:$0x1] =	stream.indirect.gather [hbm4b:s8+s14], $0x50, s3, s14, $0xb8;
	[tilespmem:$0x1B600] =	vst v63  }
0x1f: {  	_ =	swait.ge [sflag:s16], $0x2800  }
0x20: {  	[sflag:s16] =	ssyncset.done $0x0  }
0x21: {  	s23 =	simm.s32 $0x80;
	[sflag:s16] =	ssyncadd.s32 $0xFFFFD800  }
0x22: {  	[tilespmem:s17], [sflag:$0x2] =	stream.indirect.gather [hbm4b:s8+s14], $0x50, s23, s14, $0xb8;
	[tilespmem:$0x1B600] =	vst v63  }
0x23: {  	s29 =	simm.s32 $0x4F00  }
0x24: {  	[spmem:s2] =	stream.indirect.scatter.add.f32 [tilespmem:s15], [sflag:$0x3], $0x50, s29, s14, $0xb8;
	[tilespmem:$0x1B600] =	vst v63  }
0x25: {  	_ =	swait.ge [sflag:s12], $0x2800  }
0x26: {  	[sflag:s12] =	ssyncset.done $0x0  }
0x27: {  	[sflag:s12] =	ssyncadd.s32 $0xFFFFD800  }
0x28: {  	_ =	swait.ge [sflag:s18], $0x2800  }
0x29: {  	[sflag:s18] =	ssyncset.done $0x0  }
0x2a: {  	s30 =	simm.s32 $0x100;
	[sflag:s18] =	ssyncadd.s32 $0xFFFFD800  }
0x2b: {  	[tilespmem:s15], [sflag:$0x1] =	stream.indirect.gather [hbm4b:s8+s14], $0x50, s30, s14, $0xb8;
	[tilespmem:$0x1B600] =	vst v63  }
0x2c: {  	s31 =	simm.s32 $0x4F80  }
0x2d: {  	[spmem:s2] =	stream.indirect.scatter.add.f32 [tilespmem:s17], [sflag:$0x3], $0x50, s31, s14, $0xb8;
	[tilespmem:$0x1B600] =	vst v63  }
0x2e: {  	_ =	swait.ge [sflag:s12], $0x2800  }
0x2f: {  	s23 =	simm.s32 $0x400;
	[sflag:s12] =	ssyncset.done $0x0  }
.LBB2_2:
0x30: {  	p0 =	sne.s32 s23, $0x13400  }
0x31: {  	[sflag:s12] =	ssyncadd.s32 $0xFFFFD800;
	s24 =	smov.u32 s23;
	s23 =	sadd.s32 $0x400, s23  }
0x32: {  	_ = 	snop  }
0x33: {  	_ =	swait.ge [sflag:s16], $0x2800  }
0x34: {  	s24 =	sshra.s32 s24, $0x2;
	[sflag:s16] =	ssyncset.done $0x0  }
0x35: {  	s25 =	sadd.s32 $0x80, s24;
	[sflag:s16] =	ssyncadd.s32 $0xFFFFD800  }
0x36: {  	[tilespmem:s17], [sflag:$0x2] =	stream.indirect.gather [hbm4b:s8+s14], $0x50, s25, s14, $0xb8;
	[tilespmem:$0x1B600] =	vst v63  }
0x37: {  	s25 =	sadd.s32 $0x4F00, s24  }
0x38: {  	[spmem:s2] =	stream.indirect.scatter.add.f32 [tilespmem:s15], [sflag:$0x3], $0x50, s25, s14, $0xb8;
	[tilespmem:$0x1B600] =	vst v63  }
0x39: {  	_ =	swait.ge [sflag:s12], $0x2800  }
0x3a: {  	[sflag:s12] =	ssyncset.done $0x0  }
0x3b: {  	[sflag:s12] =	ssyncadd.s32 $0xFFFFD800  }
0x3c: {  	_ =	swait.ge [sflag:s18], $0x2800  }
0x3d: {  	[sflag:s18] =	ssyncset.done $0x0  }
0x3e: {  	s25 =	sadd.s32 $0x100, s24;
	[sflag:s18] =	ssyncadd.s32 $0xFFFFD800  }
0x3f: {  	[tilespmem:s15], [sflag:$0x1] =	stream.indirect.gather [hbm4b:s8+s14], $0x50, s25, s14, $0xb8;
	[tilespmem:$0x1B600] =	vst v63  }
.Ltmp0:
0x40: {  	_ = 	snop;
	(pc) =	sbr.rel @p0 .LBB2_2-.Ltmp0, $4  }
0x41: {  	s24 =	sadd.s32 $0x4F80, s24  }
0x42: {  	[spmem:s2] =	stream.indirect.scatter.add.f32 [tilespmem:s17], [sflag:$0x3], $0x50, s24, s14, $0xb8;
	[tilespmem:$0x1B600] =	vst v63  }
0x43: {  	_ =	swait.ge [sflag:s12], $0x2800  }
0x44: {  	[sflag:s12] =	ssyncset.done $0x0  }
0x45: {  	[sflag:s12] =	ssyncadd.s32 $0xFFFFD800  }
0x46: {  	_ =	swait.ge [sflag:s16], $0x2800  }
0x47: {  	[sflag:s16] =	ssyncset.done $0x0  }
0x48: {  	[sflag:s16] =	ssyncadd.s32 $0xFFFFD800  }
0x49: {  	[tilespmem:s17], [sflag:$0x2] =	stream.indirect.gather [hbm4b:s8+s14], $0x50, s19, s14, $0xb8;
	[tilespmem:$0x1B600] =	vst v63  }
0x4a: {  	_ = 	snop  }
0x4b: {  	[spmem:s2] =	stream.indirect.scatter.add.f32 [tilespmem:s15], [sflag:$0x3], $0x50, s20, s14, $0xb8;
	[tilespmem:$0x1B600] =	vst v63  }
0x4c: {  	_ =	swait.ge [sflag:s12], $0x2800  }
0x4d: {  	[sflag:s12] =	ssyncset.done $0x0  }
0x4e: {  	[sflag:s12] =	ssyncadd.s32 $0xFFFFD800  }
0x4f: {  	_ =	swait.ge [sflag:s18], $0x2800  }
0x50: {  	[sflag:s18] =	ssyncset.done $0x0  }
0x51: {  	[sflag:s18] =	ssyncadd.s32 $0xFFFFD800  }
0x52: {  	[spmem:s2] =	stream.indirect.scatter.add.f32 [tilespmem:s17], [sflag:$0x3], $0x50, s21, s14, $0xb8;
	[tilespmem:$0x1B600] =	vst v63  }
0x53: {  	_ =	swait.ge [sflag:s12], $0x2800  }
0x54: {  	s22 =	sadd.s32 $0x1, s22;
	[sflag:s12] =	ssyncset.done $0x0  }
0x55: {  	p0 =	sne.s32 s22, s10;
	[sflag:s12] =	ssyncadd.s32 $0xFFFFD800  }
.Ltmp1:
0x56: {  	[bflag:$0x0] =	sbarrier.arrive $0xFFFF;
	(pc) =	sbr.rel @p0 .LBB2_1-.Ltmp1, $4  }
0x57: {  	[hbm:s9], [sflag:s5] =	dma.local [spmem:s11], $0x1900  }
0x58: {  	_ =	swait.ge [sflag:s12], $0x1900  }
0x59: {  	[sflag:s12] =	ssyncset.done $0x0  }
0x5a: {  	[sflag:s12] =	ssyncadd.s32 $0xFFFFE700  }
0x5b: {  	_ =	sfence.sel $0x180000  }
0x5c: {  	[bflag:$0x0] =	sbarrier.arrive $0xFFFF  }
0x5d: {  	p0 =	sne.s32 s0, $0x0;
	_ =	strace $0x90000047  }
0x5e: {  	s0 =	sadd.s32 @!p0 $0x100000, s1;
	[bflag:$0x2] =	sbarrier.arrive $0xFFFF  }
0x5f: {  	[sflag:s0] =	ssyncadd.tile.s32 @!p0 $0x1;
	_ =	shalt  }
.Lfunc_end2:
_tile_overlayer_lowered:
.L_overlay_start_2:
0x60: {  	(tag) =	ssettag $0x2  }
0x61: {  	s0 =	rddreg [dreg:$0x0];
	s2 =	stileid.u32  }
0x62: {  	s1 =	rddreg [dreg:$0x1];
	p0 =	sne.s32 s2, $0x0  }
0x63: {  	s3 =	rddreg [dreg:$0x2];
	[bflag:$0x3] =	sbarrier.arrive $0xFFFF;
	s2 =	simm.s32 @!p0 $0x1C03  }
0x64: {  	[timem:s3], [sflag:s2] =	dma.local @!p0 [hbm:s0], s1  }
0x65: {  	s0 =	simm.s32 @!p0 $0x3  }
0x66: {  	_ =	swait.ge @!p0 [sflag:s0], s1  }
0x67: {  	s1 =	ssub.s32 @!p0 $0x0, s1;
	[sflag:s0] =	ssyncset.done @!p0 $0x0  }
0x68: {  	[sflag:s0] =	ssyncadd.s32 @!p0 s1  }
0x69: {  	[bflag:$0x3] =	sbarrier.arrive $0xFFFF  }
0x6a: {  	_ =	shalt  }

// kernel: kernel.13.cloned.1.call-start
scs
__scs_entry_jumppad:
0x0: {  	(pc) =	sbr.rel $0x88, $3  }
0x1: {  	(tag) =	ssettag $0x0;
	lr =	simm.s32 $0x1  }
0x2: {  	[smem:$0x3F8E] =	sst lr;
	_ =	strace $0xD0000000  }
0x3: {  	_ = 	snop  }
0x4: {  	_ = 	snop  }
0x5: {  	_ = 	snop  }
0x6: {  	_ = 	snop  }
0x7: {  	_ = 	snop  }
__scs_overlays_trampoline_lowered:
0x8: {  	[smem:$0x3F9D] =	sst s0  }
0x9: {  	[smem:$0x3F9E] =	sst s1  }
0xa: {  	[smem:$0x3F9F] =	sst s2  }
0xb: {  	[smem:$0x3FA0] =	sst s3  }
0xc: {  	[smem:$0x3FA1] =	sst s4  }
0xd: {  	[smem:$0x3FA2] =	sst s5  }
0xe: {  	[smem:$0x3FA3] =	sst s6  }
0xf: {  	[smem:$0x3FA4] =	sst s7  }
0x10: {  	[smem:$0x3FA5] =	sst s8  }
0x11: {  	[smem:$0x3FA6] =	sst s9;
	s0 =	simm.s32 @!p0 $0x0  }
0x12: {  	s1 =	sld [smem:$0x3F8C];
	s0 =	simm.s32 @p0 $0x1  }
0x13: {  	[smem:$0x3FA7] =	sst s0;
	s0 =	simm.s32 @!p1 $0x0  }
0x14: {  	s2 =	sld [smem:$0x3F8B];
	s0 =	simm.s32 @p1 $0x1  }
0x15: {  	[smem:$0x3FA8] =	sst s0;
	s0 =	simm.s32 @!p2 $0x0  }
0x16: {  	s3 =	sld [smem:$0x3FDB];
	s0 =	simm.s32 @p2 $0x1  }
0x17: {  	s4 =	simm.s32 $0x1BF5;
	[smem:$0x3FAA] =	sst s0  }
0x18: {  	s0 =	sld [smem:$0x3F8D];
	_ =	swait.ge [sflag:s4], $0x0  }
0x19: {  	s7 =	sld [smem:$0x3F8E]  }
0x1a: {  	s8 =	sadd.s32 $0xFFFFE003, lr  }
0x1b: {  	s9 =	sadd.s32 $0xFFFFFEF7, lr;
	s5 =	simm.s32 $0xFFFFFFFF;
	p2 =	slt.u32 s8, $0xFFFFF086  }
0x1c: {  	p1 =	slt.u32 s9, $0xF7A;
	s5 =	simm.s32 @!p2 $0x0  }
0x1d: {  	s5 =	simm.s32 @p1 $0x1;
	p0 =	seq.s32 s7, s2  }
0x1e: {  	s7 =	smul.u32 @!p0 $0xF7A, s2;
	p2 =	seq.s32 @!p0 s5, $0x0  }
0x1f: {  	s9 =	smul.u32 $0xF7A, s1;
	s8 =	simm.s32 @!p0 $0x1BF5;
	p2 =	por !p2, p0  }
0x20: {  	[sflag:s8] =	ssyncset.s32 @!p0 $0xFFFFF086;
	s6 =	sadd.s32 @!p0 s3, s7;
	s7 =	simm.s32 @!p0 $0x108  }
0x21: {  	s3 =	sadd.s32 s3, s9;
	s6 =	sadd.s32 @!p0 $0x88, s6;
	s7 =	simm.s32 @p2 $0x1082  }
0x22: {  	[simem:s7], [sflag:s8] =	dma.local @!p0 [hbm:s6], $0xF7A  }
0x23: {  	s9 =	sor.u32 $0xD0000000, s2;
	s6 =	simm.s32 $0x108;
	_ =	swait.ge @!p0 [sflag:s8], $0x0  }
0x24: {  	s3 =	sadd.s32 $0x88, s3;
	s6 =	simm.s32 @!p1 $0x1082;
	[sflag:s4] =	ssyncset.s32 $0xFFFFF086  }
0x25: {  	[simem:s6], [sflag:s4] =	dma.local [hbm:s3], $0xF7A  }
0x26: {  	[smem:$0x3F8E] =	sst s1;
	(tag) =	ssettag s2;
	_ =	strace s9  }
0x27: {  	s1 =	sld [smem:$0x3F9E]  }
0x28: {  	s2 =	sld [smem:$0x3F9F]  }
0x29: {  	s4 =	sld [smem:$0x3FA1]  }
0x2a: {  	p0 =	seq.s32 s5, $0x0;
	s5 =	sld [smem:$0x3FA2]  }
0x2b: {  	s6 =	sld [smem:$0x3FA3]  }
0x2c: {  	s7 =	sld [smem:$0x3FA4]  }
0x2d: {  	s3 =	simm.s32 $0x108;
	s8 =	sld [smem:$0x3FA5]  }
0x2e: {  	s3 =	simm.s32 @!p0 $0x1082;
	s9 =	sld [smem:$0x3FA6]  }
0x2f: {  	lr =	sadd.s32 s0, s3;
	s0 =	sld [smem:$0x3F9D]  }
0x30: {  	s3 =	sld [smem:$0x3FA0]  }
0x31: {  	[smem:$0x3FA9] =	sst s10  }
0x32: {  	s10 =	sld [smem:$0x3FA7];
	_ =	sdelay $0x3  }
0x33: {  	p0 =	seq.s32 s10, $0x1;
	s10 =	sld [smem:$0x3FA9];
	_ =	sdelay $0x3  }
0x34: {  	[smem:$0x3FA9] =	sst s10  }
0x35: {  	s10 =	sld [smem:$0x3FA8];
	_ =	sdelay $0x3  }
0x36: {  	p1 =	seq.s32 s10, $0x1;
	s10 =	sld [smem:$0x3FA9];
	_ =	sdelay $0x3  }
0x37: {  	[smem:$0x3FA9] =	sst s10  }
0x38: {  	s10 =	sld [smem:$0x3FAA]  }
0x39: {  	_ = 	snop;
	(pc) =	sbr.ind lr, $3  }
0x3a: {  	_ = 	snop  }
0x3b: {  	_ = 	snop  }
0x3c: {  	p2 =	seq.s32 s10, $0x1;
	s10 =	sld [smem:$0x3FA9]  }
0x3d: {  	_ =	shalt  }
0x3e: {  	_ =	shalt  }
0x3f: {  	_ =	shalt  }
0x40: {  	_ =	shalt  }
0x41: {  	_ =	shalt  }
0x42: {  	_ =	shalt  }
0x43: {  	_ =	shalt  }
0x44: {  	_ =	shalt  }
0x45: {  	_ =	shalt  }
0x46: {  	_ =	shalt  }
0x47: {  	_ =	shalt  }
0x48: {  	_ =	shalt  }
0x49: {  	_ =	shalt  }
0x4a: {  	_ =	shalt  }
0x4b: {  	_ =	shalt  }
0x4c: {  	_ =	shalt  }
0x4d: {  	_ =	shalt  }
0x4e: {  	_ =	shalt  }
0x4f: {  	_ =	shalt  }
0x50: {  	_ =	shalt  }
0x51: {  	_ =	shalt  }
0x52: {  	_ =	shalt  }
0x53: {  	_ =	shalt  }
0x54: {  	_ =	shalt  }
0x55: {  	_ =	shalt  }
0x56: {  	_ =	shalt  }
0x57: {  	_ =	shalt  }
0x58: {  	_ =	shalt  }
0x59: {  	_ =	shalt  }
0x5a: {  	_ =	shalt  }
0x5b: {  	_ =	shalt  }
0x5c: {  	_ =	shalt  }
0x5d: {  	_ =	shalt  }
0x5e: {  	_ =	shalt  }
0x5f: {  	_ =	shalt  }
0x60: {  	_ =	shalt  }
0x61: {  	_ =	shalt  }
0x62: {  	_ =	shalt  }
0x63: {  	_ =	shalt  }
0x64: {  	_ =	shalt  }
0x65: {  	_ =	shalt  }
0x66: {  	_ =	shalt  }
0x67: {  	_ =	shalt  }
0x68: {  	_ =	shalt  }
0x69: {  	_ =	shalt  }
0x6a: {  	_ =	shalt  }
0x6b: {  	_ =	shalt  }
0x6c: {  	_ =	shalt  }
0x6d: {  	_ =	shalt  }
0x6e: {  	_ =	shalt  }
0x6f: {  	_ =	shalt  }
0x70: {  	_ =	shalt  }
0x71: {  	_ =	shalt  }
0x72: {  	_ =	shalt  }
0x73: {  	_ =	shalt  }
0x74: {  	_ =	shalt  }
0x75: {  	_ =	shalt  }
0x76: {  	_ =	shalt  }
0x77: {  	_ =	shalt  }
0x78: {  	_ =	shalt  }
0x79: {  	_ =	shalt  }
0x7a: {  	_ =	shalt  }
0x7b: {  	_ =	shalt  }
0x7c: {  	_ =	shalt  }
0x7d: {  	_ =	shalt  }
0x7e: {  	_ =	shalt  }
0x7f: {  	_ =	shalt  }
0x80: {  	_ =	shalt  }
0x81: {  	_ =	shalt  }
0x82: {  	_ =	shalt  }
0x83: {  	_ =	shalt  }
0x84: {  	_ =	shalt  }
0x85: {  	_ =	shalt  }
0x86: {  	_ =	shalt  }
0x87: {  	_ =	shalt  }
.Lfunc_end0:
.L_simem_size_0:
called_computation.2_lowered:
.L_overlay_start_0:
0x88: {  	s2 =	sld [smem:$0x3FD9]  }
0x89: {  	s3 =	sld [smem:$0x3FFE];
	_ =	sdelay $0x1  }
0x8a: {  	s1 =	srdreg.scid  }
0x8b: {  	s0 =	sand.u32 $0x1, s1  }
0x8c: {  	s16 =	sshll.u32 s0, $0xA;
	s2 =	sadd.s32 s3, s2  }
0x8d: {  	s2 =	sadd.s32 s2, s16  }
0x8e: {  	[smem:$0x3FB5] =	sst s2  }
0x8f: {  	_ = 	snop  }
0x90: {  	(tm) =	ssettm $0x1  }
0x91: {  	s17 =	sld [smem:$0x3FFB];
	_ =	sdelay $0x3  }
0x92: {  	_ =	strace s17  }
0x93: {  	s2 =	sld [smem:$0x3FFC];
	_ =	sdelay $0x3  }
0x94: {  	_ =	strace s2  }
0x95: {  	s2 =	sld [smem:$0x3FFD];
	_ =	sdelay $0x3  }
0x96: {  	_ =	strace s2  }
0x97: {  	_ =	strace $0x8FFFFFFF  }
0x98: {  	s18 =	sld [smem:$0x3FDB];
	_ =	sdelay $0x1  }
0x99: {  	s19 =	simm.s32 $_scs_section_size  }
0x9a: {  	s4 =	simm.s32 $_size__tile_overlayer_lowered;
	s5 =	simm.s32 $_tile_overlayer_lowered  }
0x9b: {  	s22 =	simm.s32 $0x1BFF;
	s21 =	sshll.u32 s5, $0x1;
	s2 =	sadd.s32 s19, s18  }
0x9c: {  	s6 =	simm.s32 $0x0;
	s20 =	sshll.u32 s4, $0x1;
	s4 =	sadd.s32 s21, s2  }
0x9d: {  	[timem:s6], [sflag:s22] =	dma.local [hbm:s4], s20  }
0x9e: {  	_ =	swait.ge [sflag:s22], s20  }
0x9f: {  	s3 =	ssub.s32 $0x0, s20;
	[sflag:s22] =	ssyncset.done $0x0  }
0xa0: {  	[sflag:s22] =	ssyncadd.s32 s3;
	_ =	sdelay $0x1  }
0xa1: {  	s23 =	simm.s32 $0x1B8B  }
0xa2: {  	_ =	swait.ge [sflag:s23], $0x1  }
0xa3: {  	[sflag:s23] =	ssyncset.done $0x0  }
0xa4: {  	s25 =	simm.s32 $0x1B8E;
	s24 =	sld [smem:$0x3FFE];
	[sflag:s23] =	ssyncadd.s32 $0xFFFFFFFF  }
0xa5: {  	s26 =	simm.s32 $execute0_lowered;
	[smem:$0x3FD2] =	sst s25  }
0xa6: {  	s4 =	sshll.u32 s26, $0x1;
	_ =	strace $0x8000004C;
	[dreg:$0x1] =	wrdreg $0xFFFFFFFF  }
0xa7: {  	s28 =	simm.s32 $_size_execute0_lowered;
	s2 =	sadd.s32 s2, s4;
	[dreg:$0x0] =	wrdreg $0x0  }
0xa8: {  	s4 =	sshll.u32 s28, $0x1;
	[dreg:$0x2] =	wrdreg s2  }
0xa9: {  	[dreg:$0x3] =	wrdreg s4  }
0xaa: {  	[dreg:$0x4] =	wrdreg $0xC0  }
0xab: {  	_ =	task [dreg:s6], $0x5FFFF  }
0xac: {  	[dreg:$0x1] =	wrdreg $0xFFFFFFFF  }
0xad: {  	[dreg:$0x0] =	wrdreg $0x60  }
0xae: {  	[dreg:$0x2] =	wrdreg s24  }
0xaf: {  	[dreg:$0x3] =	wrdreg $0xEE000  }
0xb0: {  	[dreg:$0x4] =	wrdreg $0x9  }
0xb1: {  	_ =	task.clear_ibuf [dreg:s6], $0x5FFFF;
	_ =	strace $0x9000004C  }
0xb2: {  	s29 =	simm.s32 $0x9;
	_ =	strace $0x8000004E  }
0xb3: {  	_ =	swait.ge [sflag:s29], $0x1  }
0xb4: {  	[sflag:s29] =	ssyncadd.s32 $0xFFFFFFFF  }
0xb5: {  	_ =	strace $0x9000004E  }
0xb6: {  	_ =	sfence  }
0xb7: {  	s30 =	sld [smem:$0x0];
	_ =	sdelay $0x2  }
0xb8: {  	s31 =	sshll.u32 s1, $0xD;
	s1 =	sshrl.u32 s1, $0x2  }
0xb9: {  	s3 =	sand.u32 $0x4000, s31;
	s1 =	sadd.s32 s1, s30  }
0xba: {  	s0 =	sor.u32 s3, s0;
	s1 =	sshll.u32 s1, $0x11  }
0xbb: {  	s0 =	sor.u32 s1, s0  }
0xbc: {  	s0 =	sadd.s32 $0x8F2B, s0  }
0xbd: {  	[sflag:s0] =	ssyncadd.remote.s32 $0x1  }
0xbe: {  	_ =	sfence.sel $0xFFFF  }
0xbf: {  	[dreg:$0x0] =	wrdreg $0xFFFFFFFF;
	(pc) =	sbr.abs _section_cstart, $3  }
0xc0: {  	[dreg:$0x1] =	wrdreg $0xFFFFFFFF  }
0xc1: {  	_ =	task.clear_ibuf [dreg:s6], $0x2FFFF;
	_ =	strace $0x9FFFFFFF  }
0xc2: {  	(tm) =	ssettm $0x7FFFFFFF  }
0xc3: {  	_ =	shalt  }
tec
execute0_lowered:
.L_overlay_start_1:
0x0: {  	(tag) =	ssettag $0x1  }
0x1: {  	s4 =	rddreg [dreg:$0x0]  }
0x2: {  	s2 =	rddreg [dreg:$0x1]  }
0x3: {  	s0 =	srdreg.scid;
	s1 =	rddreg [dreg:$0x2];
	s3 =	simm.s32 $0x0  }
0x4: {  	s14 =	simm.s32 $0x80;
	s15 =	simm.s32 $0x9E00;
	s16 =	simm.s32 $0x1  }
0x5: {  	s17 =	simm.s32 $0xC600;
	s18 =	simm.s32 $0x2;
	s5 =	sand.u32 $0x1, s0  }
0x6: {  	s19 =	simm.s32 $0x4E80;
	s0 =	stileid.u32;
	s6 =	smul.u32 $0x186A0, s5  }
0x7: {  	s20 =	simm.s32 $0x9D00;
	s21 =	simm.s32 $0x9D80;
	s7 =	smul.u32 $0x9E0, s0  }
0x8: {  	s22 =	simm.s32 $0x0;
	[smem:$0x7FF] =	sst s3;
	s8 =	smul.u32 $0xC800, s0  }
0x9: {  	s9 =	smul.u32 $0xC8000, s5;
	_ =	strace $0x8000004D;
	s5 =	ssub.s32 $0x2, s5  }
0xa: {  	s31 =	sshll.u32 s0, $0x6;
	s11 =	sshrl.u32 s5, $0x1;
	s10 =	sadd.s32 s6, s4  }
0xb: {  	s7 =	sadd.s32 s7, s4;
	s29 =	sadd.s32 s8, s9;
	s30 =	sshrl.u32 s8, $0x3  }
0xc: {  	s11 =	ssub.s32 s5, s11;
	s13 =	sadd.s32 s8, s2;
	s5 =	sor.u32 $0x1C03, s31  }
0xd: {  	s6 =	sshrl.u32 s29, $0x3;
	s9 =	sadd.s32 s30, s4;
	s8 =	sadd.s32 $0x2A00, s10  }
0xe: {  	s10 =	smax.u32 s11, $0x1;
	s11 =	sshrl.u32 s13, $0x3;
	s13 =	simm.s32 $0x4F00  }
0xf: {  	s12 =	sadd.s32 s6, s4;
	s4 =	sadd.s32 $0x47400, s9;
	s6 =	sadd.s32 $0x33800, s7  }
0x10: {  	s7 =	sadd.s32 $0x3D600, s7;
	s9 =	sadd.s32 $0x60400, s12;
	s12 =	simm.s32 $0x3  }
.LBB2_1:
0x11: {  	[spmem:s11], [sflag:s5] =	dma.local [hbm:s4], $0x1900  }
0x12: {  	_ =	swait.ge [sflag:s12], $0x1900  }
0x13: {  	[sflag:s12] =	ssyncset.done $0x0  }
0x14: {  	[sflag:s12] =	ssyncadd.s32 $0xFFFFE700  }
0x15: {  	[tilespmem:s3], [sflag:$0x3] =	stream.linear.gather [hbm4b:s6+s3], $0x4F00, $0x38;
	[tilespmem:$0x1B600] =	vst v63  }
0x16: {  	_ =	swait.ge [sflag:s12], $0x4F00  }
0x17: {  	[sflag:s12] =	ssyncset.done $0x0  }
0x18: {  	[sflag:s12] =	ssyncadd.s32 $0xFFFFB100  }
0x19: {  	[tilespmem:s13], [sflag:$0x3] =	stream.linear.gather [hbm4b:s7+s3], $0x4F00, $0x38;
	[tilespmem:$0x1B600] =	vst v63  }
0x1a: {  	_ =	swait.ge [sflag:s12], $0x4F00  }
0x1b: {  	[sflag:s12] =	ssyncset.done $0x0  }
0x1c: {  	[sflag:s12] =	ssyncadd.s32 $0xFFFFB100  }
0x1d: {  	[bflag:$0x0] =	sbarrier.arrive $0xFFFF  }
0x1e: {  	[tilespmem:s15], [sflag:$0x1] =	stream.indirect.gather [hbm4b:s8+s14], $0x50, s3, s14, $0xb8;
	[tilespmem:$0x1B600] =	vst v63  }
0x1f: {  	_ =	swait.ge [sflag:s16], $0x2800  }
0x20: {  	[sflag:s16] =	ssyncset.done $0x0  }
0x21: {  	s23 =	simm.s32 $0x80;
	[sflag:s16] =	ssyncadd.s32 $0xFFFFD800  }
0x22: {  	[tilespmem:s17], [sflag:$0x2] =	stream.indirect.gather [hbm4b:s8+s14], $0x50, s23, s14, $0xb8;
	[tilespmem:$0x1B600] =	vst v63  }
0x23: {  	s29 =	simm.s32 $0x4F00  }
0x24: {  	[spmem:s2] =	stream.indirect.scatter.add.f32 [tilespmem:s15], [sflag:$0x3], $0x50, s29, s14, $0xb8;
	[tilespmem:$0x1B600] =	vst v63  }
0x25: {  	_ =	swait.ge [sflag:s12], $0x2800  }
0x26: {  	[sflag:s12] =	ssyncset.done $0x0  }
0x27: {  	[sflag:s12] =	ssyncadd.s32 $0xFFFFD800  }
0x28: {  	_ =	swait.ge [sflag:s18], $0x2800  }
0x29: {  	[sflag:s18] =	ssyncset.done $0x0  }
0x2a: {  	s30 =	simm.s32 $0x100;
	[sflag:s18] =	ssyncadd.s32 $0xFFFFD800  }
0x2b: {  	[tilespmem:s15], [sflag:$0x1] =	stream.indirect.gather [hbm4b:s8+s14], $0x50, s30, s14, $0xb8;
	[tilespmem:$0x1B600] =	vst v63  }
0x2c: {  	s31 =	simm.s32 $0x4F80  }
0x2d: {  	[spmem:s2] =	stream.indirect.scatter.add.f32 [tilespmem:s17], [sflag:$0x3], $0x50, s31, s14, $0xb8;
	[tilespmem:$0x1B600] =	vst v63  }
0x2e: {  	_ =	swait.ge [sflag:s12], $0x2800  }
0x2f: {  	s23 =	simm.s32 $0x400;
	[sflag:s12] =	ssyncset.done $0x0  }
.LBB2_2:
0x30: {  	p0 =	sne.s32 s23, $0x13400  }
0x31: {  	[sflag:s12] =	ssyncadd.s32 $0xFFFFD800;
	s24 =	smov.u32 s23;
	s23 =	sadd.s32 $0x400, s23  }
0x32: {  	_ = 	snop  }
0x33: {  	_ =	swait.ge [sflag:s16], $0x2800  }
0x34: {  	s24 =	sshra.s32 s24, $0x2;
	[sflag:s16] =	ssyncset.done $0x0  }
0x35: {  	s25 =	sadd.s32 $0x80, s24;
	[sflag:s16] =	ssyncadd.s32 $0xFFFFD800  }
0x36: {  	[tilespmem:s17], [sflag:$0x2] =	stream.indirect.gather [hbm4b:s8+s14], $0x50, s25, s14, $0xb8;
	[tilespmem:$0x1B600] =	vst v63  }
0x37: {  	s25 =	sadd.s32 $0x4F00, s24  }
0x38: {  	[spmem:s2] =	stream.indirect.scatter.add.f32 [tilespmem:s15], [sflag:$0x3], $0x50, s25, s14, $0xb8;
	[tilespmem:$0x1B600] =	vst v63  }
0x39: {  	_ =	swait.ge [sflag:s12], $0x2800  }
0x3a: {  	[sflag:s12] =	ssyncset.done $0x0  }
0x3b: {  	[sflag:s12] =	ssyncadd.s32 $0xFFFFD800  }
0x3c: {  	_ =	swait.ge [sflag:s18], $0x2800  }
0x3d: {  	[sflag:s18] =	ssyncset.done $0x0  }
0x3e: {  	s25 =	sadd.s32 $0x100, s24;
	[sflag:s18] =	ssyncadd.s32 $0xFFFFD800  }
0x3f: {  	[tilespmem:s15], [sflag:$0x1] =	stream.indirect.gather [hbm4b:s8+s14], $0x50, s25, s14, $0xb8;
	[tilespmem:$0x1B600] =	vst v63  }
.Ltmp0:
0x40: {  	_ = 	snop;
	(pc) =	sbr.rel @p0 .LBB2_2-.Ltmp0, $4  }
0x41: {  	s24 =	sadd.s32 $0x4F80, s24  }
0x42: {  	[spmem:s2] =	stream.indirect.scatter.add.f32 [tilespmem:s17], [sflag:$0x3], $0x50, s24, s14, $0xb8;
	[tilespmem:$0x1B600] =	vst v63  }
0x43: {  	_ =	swait.ge [sflag:s12], $0x2800  }
0x44: {  	[sflag:s12] =	ssyncset.done $0x0  }
0x45: {  	[sflag:s12] =	ssyncadd.s32 $0xFFFFD800  }
0x46: {  	_ =	swait.ge [sflag:s16], $0x2800  }
0x47: {  	[sflag:s16] =	ssyncset.done $0x0  }
0x48: {  	[sflag:s16] =	ssyncadd.s32 $0xFFFFD800  }
0x49: {  	[tilespmem:s17], [sflag:$0x2] =	stream.indirect.gather [hbm4b:s8+s14], $0x50, s19, s14, $0xb8;
	[tilespmem:$0x1B600] =	vst v63  }
0x4a: {  	_ = 	snop  }
0x4b: {  	[spmem:s2] =	stream.indirect.scatter.add.f32 [tilespmem:s15], [sflag:$0x3], $0x50, s20, s14, $0xb8;
	[tilespmem:$0x1B600] =	vst v63  }
0x4c: {  	_ =	swait.ge [sflag:s12], $0x2800  }
0x4d: {  	[sflag:s12] =	ssyncset.done $0x0  }
0x4e: {  	[sflag:s12] =	ssyncadd.s32 $0xFFFFD800  }
0x4f: {  	_ =	swait.ge [sflag:s18], $0x2800  }
0x50: {  	[sflag:s18] =	ssyncset.done $0x0  }
0x51: {  	[sflag:s18] =	ssyncadd.s32 $0xFFFFD800  }
0x52: {  	[spmem:s2] =	stream.indirect.scatter.add.f32 [tilespmem:s17], [sflag:$0x3], $0x50, s21, s14, $0xb8;
	[tilespmem:$0x1B600] =	vst v63  }
0x53: {  	_ =	swait.ge [sflag:s12], $0x2800  }
0x54: {  	s22 =	sadd.s32 $0x1, s22;
	[sflag:s12] =	ssyncset.done $0x0  }
0x55: {  	p0 =	sne.s32 s22, s10;
	[sflag:s12] =	ssyncadd.s32 $0xFFFFD800  }
.Ltmp1:
0x56: {  	[bflag:$0x0] =	sbarrier.arrive $0xFFFF;
	(pc) =	sbr.rel @p0 .LBB2_1-.Ltmp1, $4  }
0x57: {  	[hbm:s9], [sflag:s5] =	dma.local [spmem:s11], $0x1900  }
0x58: {  	_ =	swait.ge [sflag:s12], $0x1900  }
0x59: {  	[sflag:s12] =	ssyncset.done $0x0  }
0x5a: {  	[sflag:s12] =	ssyncadd.s32 $0xFFFFE700  }
0x5b: {  	_ =	sfence.sel $0x180000  }
0x5c: {  	[bflag:$0x0] =	sbarrier.arrive $0xFFFF  }
0x5d: {  	p0 =	sne.s32 s0, $0x0;
	_ =	strace $0x9000004D  }
0x5e: {  	s0 =	sadd.s32 @!p0 $0x100000, s1;
	[bflag:$0x2] =	sbarrier.arrive $0xFFFF  }
0x5f: {  	[sflag:s0] =	ssyncadd.tile.s32 @!p0 $0x1;
	_ =	shalt  }
.Lfunc_end2:
_tile_overlayer_lowered:
.L_overlay_start_2:
0x60: {  	(tag) =	ssettag $0x2  }
0x61: {  	s0 =	rddreg [dreg:$0x0];
	s2 =	stileid.u32  }
0x62: {  	s1 =	rddreg [dreg:$0x1];
	p0 =	sne.s32 s2, $0x0  }
0x63: {  	s3 =	rddreg [dreg:$0x2];
	[bflag:$0x3] =	sbarrier.arrive $0xFFFF;
	s2 =	simm.s32 @!p0 $0x1C03  }
0x64: {  	[timem:s3], [sflag:s2] =	dma.local @!p0 [hbm:s0], s1  }
0x65: {  	s0 =	simm.s32 @!p0 $0x3  }
0x66: {  	_ =	swait.ge @!p0 [sflag:s0], s1  }
0x67: {  	s1 =	ssub.s32 @!p0 $0x0, s1;
	[sflag:s0] =	ssyncset.done @!p0 $0x0  }
0x68: {  	[sflag:s0] =	ssyncadd.s32 @!p0 s1  }
0x69: {  	[bflag:$0x3] =	sbarrier.arrive $0xFFFF  }
0x6a: {  	_ =	shalt  }

// kernel: kernel.7.cloned.1.call-start
scs
__scs_entry_jumppad:
0x0: {  	(pc) =	sbr.rel $0x88, $3  }
0x1: {  	(tag) =	ssettag $0x0;
	lr =	simm.s32 $0x1  }
0x2: {  	[smem:$0x3F8E] =	sst lr;
	_ =	strace $0xD0000000  }
0x3: {  	_ = 	snop  }
0x4: {  	_ = 	snop  }
0x5: {  	_ = 	snop  }
0x6: {  	_ = 	snop  }
0x7: {  	_ = 	snop  }
__scs_overlays_trampoline_lowered:
0x8: {  	[smem:$0x3F9D] =	sst s0  }
0x9: {  	[smem:$0x3F9E] =	sst s1  }
0xa: {  	[smem:$0x3F9F] =	sst s2  }
0xb: {  	[smem:$0x3FA0] =	sst s3  }
0xc: {  	[smem:$0x3FA1] =	sst s4  }
0xd: {  	[smem:$0x3FA2] =	sst s5  }
0xe: {  	[smem:$0x3FA3] =	sst s6  }
0xf: {  	[smem:$0x3FA4] =	sst s7  }
0x10: {  	[smem:$0x3FA5] =	sst s8  }
0x11: {  	[smem:$0x3FA6] =	sst s9;
	s0 =	simm.s32 @!p0 $0x0  }
0x12: {  	s1 =	sld [smem:$0x3F8C];
	s0 =	simm.s32 @p0 $0x1  }
0x13: {  	[smem:$0x3FA7] =	sst s0;
	s0 =	simm.s32 @!p1 $0x0  }
0x14: {  	s2 =	sld [smem:$0x3F8B];
	s0 =	simm.s32 @p1 $0x1  }
0x15: {  	[smem:$0x3FA8] =	sst s0;
	s0 =	simm.s32 @!p2 $0x0  }
0x16: {  	s3 =	sld [smem:$0x3FDB];
	s0 =	simm.s32 @p2 $0x1  }
0x17: {  	s4 =	simm.s32 $0x1BF5;
	[smem:$0x3FAA] =	sst s0  }
0x18: {  	s0 =	sld [smem:$0x3F8D];
	_ =	swait.ge [sflag:s4], $0x0  }
0x19: {  	s7 =	sld [smem:$0x3F8E]  }
0x1a: {  	s8 =	sadd.s32 $0xFFFFE003, lr  }
0x1b: {  	s9 =	sadd.s32 $0xFFFFFEF7, lr;
	s5 =	simm.s32 $0xFFFFFFFF;
	p2 =	slt.u32 s8, $0xFFFFF086  }
0x1c: {  	p1 =	slt.u32 s9, $0xF7A;
	s5 =	simm.s32 @!p2 $0x0  }
0x1d: {  	s5 =	simm.s32 @p1 $0x1;
	p0 =	seq.s32 s7, s2  }
0x1e: {  	s7 =	smul.u32 @!p0 $0xF7A, s2;
	p2 =	seq.s32 @!p0 s5, $0x0  }
0x1f: {  	s9 =	smul.u32 $0xF7A, s1;
	s8 =	simm.s32 @!p0 $0x1BF5;
	p2 =	por !p2, p0  }
0x20: {  	[sflag:s8] =	ssyncset.s32 @!p0 $0xFFFFF086;
	s6 =	sadd.s32 @!p0 s3, s7;
	s7 =	simm.s32 @!p0 $0x108  }
0x21: {  	s3 =	sadd.s32 s3, s9;
	s6 =	sadd.s32 @!p0 $0x88, s6;
	s7 =	simm.s32 @p2 $0x1082  }
0x22: {  	[simem:s7], [sflag:s8] =	dma.local @!p0 [hbm:s6], $0xF7A  }
0x23: {  	s9 =	sor.u32 $0xD0000000, s2;
	s6 =	simm.s32 $0x108;
	_ =	swait.ge @!p0 [sflag:s8], $0x0  }
0x24: {  	s3 =	sadd.s32 $0x88, s3;
	s6 =	simm.s32 @!p1 $0x1082;
	[sflag:s4] =	ssyncset.s32 $0xFFFFF086  }
0x25: {  	[simem:s6], [sflag:s4] =	dma.local [hbm:s3], $0xF7A  }
0x26: {  	[smem:$0x3F8E] =	sst s1;
	(tag) =	ssettag s2;
	_ =	strace s9  }
0x27: {  	s1 =	sld [smem:$0x3F9E]  }
0x28: {  	s2 =	sld [smem:$0x3F9F]  }
0x29: {  	s4 =	sld [smem:$0x3FA1]  }
0x2a: {  	p0 =	seq.s32 s5, $0x0;
	s5 =	sld [smem:$0x3FA2]  }
0x2b: {  	s6 =	sld [smem:$0x3FA3]  }
0x2c: {  	s7 =	sld [smem:$0x3FA4]  }
0x2d: {  	s3 =	simm.s32 $0x108;
	s8 =	sld [smem:$0x3FA5]  }
0x2e: {  	s3 =	simm.s32 @!p0 $0x1082;
	s9 =	sld [smem:$0x3FA6]  }
0x2f: {  	lr =	sadd.s32 s0, s3;
	s0 =	sld [smem:$0x3F9D]  }
0x30: {  	s3 =	sld [smem:$0x3FA0]  }
0x31: {  	[smem:$0x3FA9] =	sst s10  }
0x32: {  	s10 =	sld [smem:$0x3FA7];
	_ =	sdelay $0x3  }
0x33: {  	p0 =	seq.s32 s10, $0x1;
	s10 =	sld [smem:$0x3FA9];
	_ =	sdelay $0x3  }
0x34: {  	[smem:$0x3FA9] =	sst s10  }
0x35: {  	s10 =	sld [smem:$0x3FA8];
	_ =	sdelay $0x3  }
0x36: {  	p1 =	seq.s32 s10, $0x1;
	s10 =	sld [smem:$0x3FA9];
	_ =	sdelay $0x3  }
0x37: {  	[smem:$0x3FA9] =	sst s10  }
0x38: {  	s10 =	sld [smem:$0x3FAA]  }
0x39: {  	_ = 	snop;
	(pc) =	sbr.ind lr, $3  }
0x3a: {  	_ = 	snop  }
0x3b: {  	_ = 	snop  }
0x3c: {  	p2 =	seq.s32 s10, $0x1;
	s10 =	sld [smem:$0x3FA9]  }
0x3d: {  	_ =	shalt  }
0x3e: {  	_ =	shalt  }
0x3f: {  	_ =	shalt  }
0x40: {  	_ =	shalt  }
0x41: {  	_ =	shalt  }
0x42: {  	_ =	shalt  }
0x43: {  	_ =	shalt  }
0x44: {  	_ =	shalt  }
0x45: {  	_ =	shalt  }
0x46: {  	_ =	shalt  }
0x47: {  	_ =	shalt  }
0x48: {  	_ =	shalt  }
0x49: {  	_ =	shalt  }
0x4a: {  	_ =	shalt  }
0x4b: {  	_ =	shalt  }
0x4c: {  	_ =	shalt  }
0x4d: {  	_ =	shalt  }
0x4e: {  	_ =	shalt  }
0x4f: {  	_ =	shalt  }
0x50: {  	_ =	shalt  }
0x51: {  	_ =	shalt  }
0x52: {  	_ =	shalt  }
0x53: {  	_ =	shalt  }
0x54: {  	_ =	shalt  }
0x55: {  	_ =	shalt  }
0x56: {  	_ =	shalt  }
0x57: {  	_ =	shalt  }
0x58: {  	_ =	shalt  }
0x59: {  	_ =	shalt  }
0x5a: {  	_ =	shalt  }
0x5b: {  	_ =	shalt  }
0x5c: {  	_ =	shalt  }
0x5d: {  	_ =	shalt  }
0x5e: {  	_ =	shalt  }
0x5f: {  	_ =	shalt  }
0x60: {  	_ =	shalt  }
0x61: {  	_ =	shalt  }
0x62: {  	_ =	shalt  }
0x63: {  	_ =	shalt  }
0x64: {  	_ =	shalt  }
0x65: {  	_ =	shalt  }
0x66: {  	_ =	shalt  }
0x67: {  	_ =	shalt  }
0x68: {  	_ =	shalt  }
0x69: {  	_ =	shalt  }
0x6a: {  	_ =	shalt  }
0x6b: {  	_ =	shalt  }
0x6c: {  	_ =	shalt  }
0x6d: {  	_ =	shalt  }
0x6e: {  	_ =	shalt  }
0x6f: {  	_ =	shalt  }
0x70: {  	_ =	shalt  }
0x71: {  	_ =	shalt  }
0x72: {  	_ =	shalt  }
0x73: {  	_ =	shalt  }
0x74: {  	_ =	shalt  }
0x75: {  	_ =	shalt  }
0x76: {  	_ =	shalt  }
0x77: {  	_ =	shalt  }
0x78: {  	_ =	shalt  }
0x79: {  	_ =	shalt  }
0x7a: {  	_ =	shalt  }
0x7b: {  	_ =	shalt  }
0x7c: {  	_ =	shalt  }
0x7d: {  	_ =	shalt  }
0x7e: {  	_ =	shalt  }
0x7f: {  	_ =	shalt  }
0x80: {  	_ =	shalt  }
0x81: {  	_ =	shalt  }
0x82: {  	_ =	shalt  }
0x83: {  	_ =	shalt  }
0x84: {  	_ =	shalt  }
0x85: {  	_ =	shalt  }
0x86: {  	_ =	shalt  }
0x87: {  	_ =	shalt  }
.Lfunc_end0:
.L_simem_size_0:
called_computation_lowered:
.L_overlay_start_0:
0x88: {  	s2 =	sld [smem:$0x3FD9]  }
0x89: {  	s3 =	sld [smem:$0x3FFE];
	_ =	sdelay $0x1  }
0x8a: {  	s1 =	srdreg.scid  }
0x8b: {  	s0 =	sand.u32 $0x1, s1  }
0x8c: {  	s17 =	sshll.u32 s0, $0xA;
	s2 =	sadd.s32 s3, s2  }
0x8d: {  	s2 =	sadd.s32 s2, s17  }
0x8e: {  	[smem:$0x3FB5] =	sst s2  }
0x8f: {  	_ = 	snop  }
0x90: {  	s18 =	sld [smem:$0x3FD0];
	(tm) =	ssettm $0x1  }
0x91: {  	s19 =	sld [smem:$0x3FFB];
	_ =	sdelay $0x3  }
0x92: {  	_ =	strace s19  }
0x93: {  	s2 =	sld [smem:$0x3FFC];
	_ =	sdelay $0x3  }
0x94: {  	_ =	strace s2  }
0x95: {  	s2 =	sld [smem:$0x3FFD];
	_ =	sdelay $0x3  }
0x96: {  	_ =	strace s2  }
0x97: {  	_ =	strace $0x8FFFFFFF  }
0x98: {  	s20 =	sld [smem:$0x3FDB];
	_ =	sdelay $0x1  }
0x99: {  	s4 =	simm.s32 $_scs_section_size  }
0x9a: {  	s5 =	simm.s32 $_size__tile_overlayer_lowered;
	s6 =	simm.s32 $_tile_overlayer_lowered  }
0x9b: {  	s7 =	simm.s32 $0x1BFF;
	s21 =	sshll.u32 s6, $0x1;
	s4 =	sadd.s32 s4, s20  }
0x9c: {  	s22 =	simm.s32 $0x0;
	s5 =	sshll.u32 s5, $0x1;
	s6 =	sadd.s32 s21, s4  }
0x9d: {  	[timem:s22], [sflag:s7] =	dma.local [hbm:s6], s5  }
0x9e: {  	_ =	swait.ge [sflag:s7], s5  }
0x9f: {  	s5 =	ssub.s32 $0x0, s5;
	[sflag:s7] =	ssyncset.done $0x0  }
0xa0: {  	[sflag:s7] =	ssyncadd.s32 s5;
	_ =	sdelay $0x1  }
0xa1: {  	s23 =	simm.s32 $0x1B8B  }
0xa2: {  	_ =	swait.ge [sflag:s23], $0x1  }
0xa3: {  	[sflag:s23] =	ssyncset.done $0x0  }
0xa4: {  	[sflag:s23] =	ssyncadd.s32 $0xFFFFFFFF  }
0xa5: {  	s5 =	sld [smem:$0x0]  }
0xa6: {  	s6 =	sand.u32 $0xFFFFFFFE, s1  }
0xa7: {  	p0 =	sne.s32 s1, s6  }
0xa8: {  	s6 =	sshll.u32 @p0 s6, $0xE  }
0xa9: {  	s6 =	sadd.s32 @p0 $0x11B8D, s6;
	s7 =	sshll.u32 @p0 s5, $0x11  }
0xaa: {  	s6 =	sor.u32 @p0 s7, s6  }
0xab: {  	[sflag:s6] =	ssyncadd.remote.s32 @p0 $0x1;
	_ =	sdelay $0x1  }
0xac: {  	s6 =	simm.s32 @p0 $0x1B8D  }
0xad: {  	_ =	swait.eq @p0 [sflag:s6], $0x1  }
0xae: {  	[sflag:s6] =	ssyncadd.s32 @p0 $0xFFFFFFFF  }
0xaf: {  	s7 =	sshll.u32 @!p0 s1, $0xE  }
0xb0: {  	s7 =	sor.u32 @!p0 $0x4000, s7;
	s6 =	simm.s32 @!p0 $0x1B8D  }
0xb1: {  	s5 =	sshll.u32 @!p0 s5, $0x11;
	s7 =	sadd.s32 @!p0 $0x11B8D, s7;
	_ =	swait.eq @!p0 [sflag:s6], $0x1  }
0xb2: {  	s5 =	sor.u32 @!p0 s5, s7;
	[sflag:s6] =	ssyncadd.s32 @!p0 $0xFFFFFFFF  }
0xb3: {  	s25 =	simm.s32 $0x1B8E;
	s24 =	sld [smem:$0x3FFE];
	[sflag:s5] =	ssyncadd.remote.s32 @!p0 $0x1  }
0xb4: {  	s26 =	simm.s32 $execute0_lowered;
	[smem:$0x3FD2] =	sst s25  }
0xb5: {  	s6 =	sshll.u32 s26, $0x1;
	_ =	strace $0x80000049;
	[dreg:$0x1] =	wrdreg $0xFFFFFFFF  }
0xb6: {  	s28 =	simm.s32 $_size_execute0_lowered;
	s4 =	sadd.s32 s4, s6;
	[dreg:$0x0] =	wrdreg $0x0  }
0xb7: {  	s6 =	sshll.u32 s28, $0x1;
	[dreg:$0x2] =	wrdreg s4  }
0xb8: {  	[dreg:$0x3] =	wrdreg s6  }
0xb9: {  	[dreg:$0x4] =	wrdreg $0xC0  }
0xba: {  	_ =	task [dreg:s22], $0x5FFFF  }
0xbb: {  	[dreg:$0x1] =	wrdreg $0xFFFFFFFF  }
0xbc: {  	[dreg:$0x0] =	wrdreg $0x60  }
0xbd: {  	[dreg:$0x2] =	wrdreg s24  }
0xbe: {  	[dreg:$0x3] =	wrdreg s18  }
0xbf: {  	[dreg:$0x4] =	wrdreg $0xEE000  }
0xc0: {  	[dreg:$0x5] =	wrdreg $0x9  }
0xc1: {  	_ =	task.clear_ibuf [dreg:s22], $0x6FFFF;
	_ =	strace $0x90000049  }
0xc2: {  	s29 =	simm.s32 $0x9;
	_ =	strace $0x8000004B  }
0xc3: {  	_ =	swait.ge [sflag:s29], $0x1  }
0xc4: {  	[sflag:s29] =	ssyncadd.s32 $0xFFFFFFFF  }
0xc5: {  	_ =	strace $0x9000004B  }
0xc6: {  	_ =	sfence  }
0xc7: {  	s30 =	sld [smem:$0x0];
	_ =	sdelay $0x2  }
0xc8: {  	s31 =	sshll.u32 s1, $0xD;
	s1 =	sshrl.u32 s1, $0x2  }
0xc9: {  	s4 =	sand.u32 $0x4000, s31;
	s1 =	sadd.s32 s1, s30  }
0xca: {  	s0 =	sor.u32 s4, s0;
	s1 =	sshll.u32 s1, $0x11  }
0xcb: {  	s0 =	sor.u32 s1, s0  }
0xcc: {  	s0 =	sadd.s32 $0x8F2B, s0  }
0xcd: {  	[sflag:s0] =	ssyncadd.remote.s32 $0x1  }
0xce: {  	_ =	sfence.sel $0xFFFF  }
0xcf: {  	[dreg:$0x0] =	wrdreg $0xFFFFFFFF;
	(pc) =	sbr.abs _section_cstart, $3  }
0xd0: {  	[dreg:$0x1] =	wrdreg $0xFFFFFFFF  }
0xd1: {  	_ =	task.clear_ibuf [dreg:s22], $0x2FFFF;
	_ =	strace $0x9FFFFFFF  }
0xd2: {  	(tm) =	ssettm $0x7FFFFFFF  }
0xd3: {  	_ =	shalt  }
tec
execute0_lowered:
.L_overlay_start_1:
0x0: {  	(tag) =	ssettag $0x1  }
0x1: {  	s4 =	rddreg [dreg:$0x0]  }
0x2: {  	s6 =	rddreg [dreg:$0x1]  }
0x3: {  	s2 =	rddreg [dreg:$0x2]  }
0x4: {  	s0 =	srdreg.scid;
	s1 =	rddreg [dreg:$0x3];
	s3 =	simm.s32 $0x0  }
0x5: {  	s15 =	simm.s32 $0x9E00;
	s16 =	simm.s32 $0x1;
	s5 =	sand.u32 $0x1, s0  }
0x6: {  	s17 =	simm.s32 $0xC600;
	s0 =	stileid.u32;
	s7 =	smul.u32 $0x186A0, s5  }
0x7: {  	s18 =	simm.s32 $0x2;
	s19 =	simm.s32 $0x4E80;
	s8 =	smul.u32 $0x9E0, s0  }
0x8: {  	s20 =	simm.s32 $0x9D00;
	s21 =	simm.s32 $0x9D80;
	s9 =	smul.u32 $0xC800, s0  }
0x9: {  	s22 =	simm.s32 $0x0;
	[smem:$0x7FF] =	sst s3;
	s10 =	smul.u32 $0xC8000, s5  }
0xa: {  	_ =	strace $0x8000004A;
	s5 =	ssub.s32 $0x2, s5;
	s31 =	sshll.u32 s0, $0x6  }
0xb: {  	s13 =	sshrl.u32 s5, $0x1;
	s11 =	sadd.s32 s7, s4;
	s30 =	sadd.s32 s8, s4  }
0xc: {  	s10 =	sadd.s32 s9, s10;
	s12 =	sshrl.u32 s9, $0x3;
	s13 =	ssub.s32 s5, s13  }
0xd: {  	s14 =	sadd.s32 s9, s2;
	s5 =	sor.u32 $0x1C03, s31;
	s6 =	sadd.s32 s6, s8  }
0xe: {  	s10 =	sshrl.u32 s10, $0x3;
	s12 =	sadd.s32 s12, s4;
	s7 =	sadd.s32 $0x92400, s30  }
0xf: {  	s8 =	sadd.s32 $0x2A00, s11;
	s11 =	sshrl.u32 s14, $0x3;
	s14 =	simm.s32 $0x80  }
0x10: {  	s10 =	sadd.s32 s10, s4;
	s4 =	sadd.s32 $0x47400, s12;
	s12 =	simm.s32 $0x3  }
0x11: {  	s9 =	sadd.s32 $0x9C200, s10;
	s10 =	smax.u32 s13, $0x1;
	s13 =	simm.s32 $0x4F00  }
.LBB2_1:
0x12: {  	[spmem:s11], [sflag:s5] =	dma.local [hbm:s4], $0x1900  }
0x13: {  	_ =	swait.ge [sflag:s12], $0x1900  }
0x14: {  	[sflag:s12] =	ssyncset.done $0x0  }
0x15: {  	[sflag:s12] =	ssyncadd.s32 $0xFFFFE700  }
0x16: {  	[tilespmem:s3], [sflag:$0x3] =	stream.linear.gather [hbm4b:s6+s3], $0x4F00, $0x38;
	[tilespmem:$0x1B600] =	vst v63  }
0x17: {  	_ =	swait.ge [sflag:s12], $0x4F00  }
0x18: {  	[sflag:s12] =	ssyncset.done $0x0  }
0x19: {  	[sflag:s12] =	ssyncadd.s32 $0xFFFFB100  }
0x1a: {  	[tilespmem:s13], [sflag:$0x3] =	stream.linear.gather [hbm4b:s7+s3], $0x4F00, $0x38;
	[tilespmem:$0x1B600] =	vst v63  }
0x1b: {  	_ =	swait.ge [sflag:s12], $0x4F00  }
0x1c: {  	[sflag:s12] =	ssyncset.done $0x0  }
0x1d: {  	[sflag:s12] =	ssyncadd.s32 $0xFFFFB100  }
0x1e: {  	[bflag:$0x0] =	sbarrier.arrive $0xFFFF  }
0x1f: {  	[tilespmem:s15], [sflag:$0x1] =	stream.indirect.gather [hbm4b:s8+s14], $0x50, s3, s14, $0xb8;
	[tilespmem:$0x1B600] =	vst v63  }
0x20: {  	_ =	swait.ge [sflag:s16], $0x2800  }
0x21: {  	[sflag:s16] =	ssyncset.done $0x0  }
0x22: {  	s23 =	simm.s32 $0x80;
	[sflag:s16] =	ssyncadd.s32 $0xFFFFD800  }
0x23: {  	[tilespmem:s17], [sflag:$0x2] =	stream.indirect.gather [hbm4b:s8+s14], $0x50, s23, s14, $0xb8;
	[tilespmem:$0x1B600] =	vst v63  }
0x24: {  	s29 =	simm.s32 $0x4F00  }
0x25: {  	[spmem:s2] =	stream.indirect.scatter.add.f32 [tilespmem:s15], [sflag:$0x3], $0x50, s29, s14, $0xb8;
	[tilespmem:$0x1B600] =	vst v63  }
0x26: {  	_ =	swait.ge [sflag:s12], $0x2800  }
0x27: {  	[sflag:s12] =	ssyncset.done $0x0  }
0x28: {  	[sflag:s12] =	ssyncadd.s32 $0xFFFFD800  }
0x29: {  	_ =	swait.ge [sflag:s18], $0x2800  }
0x2a: {  	[sflag:s18] =	ssyncset.done $0x0  }
0x2b: {  	s30 =	simm.s32 $0x100;
	[sflag:s18] =	ssyncadd.s32 $0xFFFFD800  }
0x2c: {  	[tilespmem:s15], [sflag:$0x1] =	stream.indirect.gather [hbm4b:s8+s14], $0x50, s30, s14, $0xb8;
	[tilespmem:$0x1B600] =	vst v63  }
0x2d: {  	s31 =	simm.s32 $0x4F80  }
0x2e: {  	[spmem:s2] =	stream.indirect.scatter.add.f32 [tilespmem:s17], [sflag:$0x3], $0x50, s31, s14, $0xb8;
	[tilespmem:$0x1B600] =	vst v63  }
0x2f: {  	_ =	swait.ge [sflag:s12], $0x2800  }
0x30: {  	s23 =	simm.s32 $0x400;
	[sflag:s12] =	ssyncset.done $0x0  }
.LBB2_2:
0x31: {  	p0 =	sne.s32 s23, $0x13400  }
0x32: {  	[sflag:s12] =	ssyncadd.s32 $0xFFFFD800;
	s24 =	smov.u32 s23;
	s23 =	sadd.s32 $0x400, s23  }
0x33: {  	_ = 	snop  }
0x34: {  	_ =	swait.ge [sflag:s16], $0x2800  }
0x35: {  	s24 =	sshra.s32 s24, $0x2;
	[sflag:s16] =	ssyncset.done $0x0  }
0x36: {  	s25 =	sadd.s32 $0x80, s24;
	[sflag:s16] =	ssyncadd.s32 $0xFFFFD800  }
0x37: {  	[tilespmem:s17], [sflag:$0x2] =	stream.indirect.gather [hbm4b:s8+s14], $0x50, s25, s14, $0xb8;
	[tilespmem:$0x1B600] =	vst v63  }
0x38: {  	s25 =	sadd.s32 $0x4F00, s24  }
0x39: {  	[spmem:s2] =	stream.indirect.scatter.add.f32 [tilespmem:s15], [sflag:$0x3], $0x50, s25, s14, $0xb8;
	[tilespmem:$0x1B600] =	vst v63  }
0x3a: {  	_ =	swait.ge [sflag:s12], $0x2800  }
0x3b: {  	[sflag:s12] =	ssyncset.done $0x0  }
0x3c: {  	[sflag:s12] =	ssyncadd.s32 $0xFFFFD800  }
0x3d: {  	_ =	swait.ge [sflag:s18], $0x2800  }
0x3e: {  	[sflag:s18] =	ssyncset.done $0x0  }
0x3f: {  	s25 =	sadd.s32 $0x100, s24;
	[sflag:s18] =	ssyncadd.s32 $0xFFFFD800  }
0x40: {  	[tilespmem:s15], [sflag:$0x1] =	stream.indirect.gather [hbm4b:s8+s14], $0x50, s25, s14, $0xb8;
	[tilespmem:$0x1B600] =	vst v63  }
.Ltmp0:
0x41: {  	_ = 	snop;
	(pc) =	sbr.rel @p0 .LBB2_2-.Ltmp0, $4  }
0x42: {  	s24 =	sadd.s32 $0x4F80, s24  }
0x43: {  	[spmem:s2] =	stream.indirect.scatter.add.f32 [tilespmem:s17], [sflag:$0x3], $0x50, s24, s14, $0xb8;
	[tilespmem:$0x1B600] =	vst v63  }
0x44: {  	_ =	swait.ge [sflag:s12], $0x2800  }
0x45: {  	[sflag:s12] =	ssyncset.done $0x0  }
0x46: {  	[sflag:s12] =	ssyncadd.s32 $0xFFFFD800  }
0x47: {  	_ =	swait.ge [sflag:s16], $0x2800  }
0x48: {  	[sflag:s16] =	ssyncset.done $0x0  }
0x49: {  	[sflag:s16] =	ssyncadd.s32 $0xFFFFD800  }
0x4a: {  	[tilespmem:s17], [sflag:$0x2] =	stream.indirect.gather [hbm4b:s8+s14], $0x50, s19, s14, $0xb8;
	[tilespmem:$0x1B600] =	vst v63  }
0x4b: {  	_ = 	snop  }
0x4c: {  	[spmem:s2] =	stream.indirect.scatter.add.f32 [tilespmem:s15], [sflag:$0x3], $0x50, s20, s14, $0xb8;
	[tilespmem:$0x1B600] =	vst v63  }
0x4d: {  	_ =	swait.ge [sflag:s12], $0x2800  }
0x4e: {  	[sflag:s12] =	ssyncset.done $0x0  }
0x4f: {  	[sflag:s12] =	ssyncadd.s32 $0xFFFFD800  }
0x50: {  	_ =	swait.ge [sflag:s18], $0x2800  }
0x51: {  	[sflag:s18] =	ssyncset.done $0x0  }
0x52: {  	[sflag:s18] =	ssyncadd.s32 $0xFFFFD800  }
0x53: {  	[spmem:s2] =	stream.indirect.scatter.add.f32 [tilespmem:s17], [sflag:$0x3], $0x50, s21, s14, $0xb8;
	[tilespmem:$0x1B600] =	vst v63  }
0x54: {  	_ =	swait.ge [sflag:s12], $0x2800  }
0x55: {  	s22 =	sadd.s32 $0x1, s22;
	[sflag:s12] =	ssyncset.done $0x0  }
0x56: {  	p0 =	sne.s32 s22, s10;
	[sflag:s12] =	ssyncadd.s32 $0xFFFFD800  }
.Ltmp1:
0x57: {  	[bflag:$0x0] =	sbarrier.arrive $0xFFFF;
	(pc) =	sbr.rel @p0 .LBB2_1-.Ltmp1, $4  }
0x58: {  	[hbm:s9], [sflag:s5] =	dma.local [spmem:s11], $0x1900  }
0x59: {  	_ =	swait.ge [sflag:s12], $0x1900  }
0x5a: {  	[sflag:s12] =	ssyncset.done $0x0  }
0x5b: {  	[sflag:s12] =	ssyncadd.s32 $0xFFFFE700  }
0x5c: {  	_ =	sfence.sel $0x180000  }
0x5d: {  	[bflag:$0x0] =	sbarrier.arrive $0xFFFF  }
0x5e: {  	p0 =	sne.s32 s0, $0x0;
	_ =	strace $0x9000004A  }
0x5f: {  	s0 =	sadd.s32 @!p0 $0x100000, s1;
	[bflag:$0x2] =	sbarrier.arrive $0xFFFF  }
0x60: {  	[sflag:s0] =	ssyncadd.tile.s32 @!p0 $0x1;
	_ =	shalt  }
.Lfunc_end2:
_tile_overlayer_lowered:
.L_overlay_start_2:
0x61: {  	(tag) =	ssettag $0x2  }
0x62: {  	s0 =	rddreg [dreg:$0x0];
	s2 =	stileid.u32  }
0x63: {  	s1 =	rddreg [dreg:$0x1];
	p0 =	sne.s32 s2, $0x0  }
0x64: {  	s3 =	rddreg [dreg:$0x2];
	[bflag:$0x3] =	sbarrier.arrive $0xFFFF;
	s2 =	simm.s32 @!p0 $0x1C03  }
0x65: {  	[timem:s3], [sflag:s2] =	dma.local @!p0 [hbm:s0], s1  }
0x66: {  	s0 =	simm.s32 @!p0 $0x3  }
0x67: {  	_ =	swait.ge @!p0 [sflag:s0], s1  }
0x68: {  	s1 =	ssub.s32 @!p0 $0x0, s1;
	[sflag:s0] =	ssyncset.done @!p0 $0x0  }
0x69: {  	[sflag:s0] =	ssyncadd.s32 @!p0 s1  }
0x6a: {  	[bflag:$0x3] =	sbarrier.arrive $0xFFFF  }
0x6b: {  	_ =	shalt  }

</sc_bundles>
